<compile_context>
chip_gen: v7x
topology: tpu7x:2x2x1
jax: 0.10.2.dev20260603
libtpu: 0.0.44.dev20260713+nightly
codegen_flags: <defaults>
</compile_context>

<pallas_src>
import jax
import jax.numpy as jnp
from jax import lax
from jax.experimental import pallas as pl
from jax.experimental.pallas import tpu as pltpu
from jax.experimental.pallas import tpu_sc as plsc

NUM_CLS = 150
NBINS = NUM_CLS * NUM_CLS
HPAD = 22528
NC, NS, L = 2, 16, 16
NW = NC * NS
B, H, W = 16, 512, 512
ROWS_W = (B * H) // NW
CROWS = 32
CHUNK = CROWS * W
NCHUNK = ROWS_W // CROWS
NBUF = 2
UNROLL = 8


def _hist_body(p_hbm, t_hbm, out_hbm, p_buf0, p_buf1, t_buf0, t_buf1, hist,
               sp0, sp1, st0, st1):
    wid = lax.axis_index("c") * NS + lax.axis_index("s")
    img = wid // 2
    row0 = (wid % 2) * (H // 2)

    pbufs = [p_buf0, p_buf1]
    tbufs = [t_buf0, t_buf1]
    sp = [sp0, sp1]
    st = [st0, st1]

    def start(i):
        r = row0 + i * CROWS
        s = i % NBUF
        dp = pltpu.async_copy(p_hbm.at[img, pl.ds(r, CROWS), :], pbufs[s], sp[s])
        dt = pltpu.async_copy(t_hbm.at[img, pl.ds(r, CROWS), :], tbufs[s], st[s])
        return dp, dt

    pend = [start(0)]

    zeros = jnp.zeros((L,), jnp.float32)

    @plsc.parallel_loop(0, HPAD, step=L, unroll=UNROLL)
    def _zero(o):
        hist[o >> 7, pl.ds(o & 127, L)] = zeros

    ones = jnp.ones((L,), jnp.float32)
    for i in range(NCHUNK):
        if i + 1 < NCHUNK:
            pend.append(start(i + 1))
        dp, dt = pend[i]
        dp.wait()
        dt.wait()
        s = i % NBUF
        pb = pbufs[s]
        tb = tbufs[s]

        @plsc.parallel_loop(0, CHUNK, step=L, unroll=UNROLL)
        def _inner(o, pb=pb, tb=tb):
            r = o >> 9
            c = o & (W - 1)
            p = pb[r, pl.ds(c, L)]
            t = tb[r, pl.ds(c, L)]
            idx = p * NUM_CLS + t
            plsc.addupdate_scatter(hist, [idx >> 7, idx & 127], ones)

    pltpu.sync_copy(hist, out_hbm.at[wid])


@jax.jit
def _sc_hist(p, t):
    mesh = plsc.VectorSubcoreMesh(
        core_axis_name="c", subcore_axis_name="s",
        num_cores=NC, num_subcores=NS)
    f = pl.kernel(
        _hist_body,
        out_type=jax.ShapeDtypeStruct((NW, HPAD // 128, 128), jnp.float32),
        mesh=mesh,
        compiler_params=pltpu.CompilerParams(
            needs_layout_passes=False, use_tc_tiling_on_sc=True),
        scratch_types=[
            pltpu.VMEM((CROWS, W), jnp.int32),
            pltpu.VMEM((CROWS, W), jnp.int32),
            pltpu.VMEM((CROWS, W), jnp.int32),
            pltpu.VMEM((CROWS, W), jnp.int32),
            pltpu.VMEM((HPAD // 128, 128), jnp.float32),
            pltpu.SemaphoreType.DMA,
            pltpu.SemaphoreType.DMA,
            pltpu.SemaphoreType.DMA,
            pltpu.SemaphoreType.DMA,
        ],
    )
    return f(p, t)


def kernel(preds, truths):
    parts = _sc_hist(preds, truths)
    acc = parts.sum(axis=0).reshape(HPAD)
    return acc[:NBINS].reshape(NUM_CLS, NUM_CLS)

# --- scband reference (transcript-rebuilt; emitter-appended) ---
"""Pipeline reference for scband-torch-semantics-meter-57784490000438 (READ-ONLY COPY).

The authoritative reference and input builder live on the scoring server;
editing this copy changes nothing except your own understanding.
"""

import jax, jax.numpy as jnp
import numpy as np

NUM_CLASSES = 150

def setup_inputs(seed: int = 0) -> dict:
    key = jax.random.key(seed)
    k1, k2 = jax.random.split(key)
    preds = jax.random.randint(k1, (16, 512, 512), 0, NUM_CLASSES, dtype=jnp.int32)
    truths = jax.random.randint(k2, (16, 512, 512), 0, NUM_CLASSES, dtype=jnp.int32)
    return {"preds": preds, "truths": truths}

def reference(preds, truths):
    # Faithful translation of TorchSemanticsMeter.update (only_acc=False):
    # flatten, drop ignore-index (-1) pixels, build confusion matrix cm[t, p],
    # then transpose as in `self.cm(truths, preds).T`.
    p = preds.reshape(-1)
    t = truths.reshape(-1)
    valid = t != -1
    w = valid.astype(jnp.float32)
    t_safe = jnp.where(valid, t, 0)
    p_safe = jnp.where(valid, p, 0)
    idx = t_safe * NUM_CLASSES + p_safe
    cm = jnp.zeros((NUM_CLASSES * NUM_CLASSES,), jnp.float32).at[idx].add(w)
    cm = cm.reshape(NUM_CLASSES, NUM_CLASSES)
    conf_mat = cm.T
    return conf_mat

if __name__ == "__main__":
    import jax
    _d = setup_inputs()
    print(jax.jit(kernel)(*tuple(_d.values())))

</pallas_src>

<mosaic_0001>
#map = affine_map<(d0, d1) -> (0, 0, 0)>
module attributes {stable_mosaic.version = 14 : i64} {
  func.func @_hist_body(%arg0: i32, %arg1: i32, %arg2: memref<16x512x512xi32, #tpu.memory_space<hbm>>, %arg3: memref<16x512x512xi32, #tpu.memory_space<hbm>>, %arg4: memref<32x176x128xf32, #tpu.memory_space<hbm>>, %arg5: memref<32x512xi32, #tpu.memory_space<vmem>>, %arg6: memref<32x512xi32, #tpu.memory_space<vmem>>, %arg7: memref<32x512xi32, #tpu.memory_space<vmem>>, %arg8: memref<32x512xi32, #tpu.memory_space<vmem>>, %arg9: memref<176x128xf32, #tpu.memory_space<vmem>>, %arg10: memref<!tpu.dma_semaphore, #tpu.memory_space<semaphore_mem>>, %arg11: memref<!tpu.dma_semaphore, #tpu.memory_space<semaphore_mem>>, %arg12: memref<!tpu.dma_semaphore, #tpu.memory_space<semaphore_mem>>, %arg13: memref<!tpu.dma_semaphore, #tpu.memory_space<semaphore_mem>>) attributes {dimension_semantics = [#tpu.dimension_semantics<core_parallel>, #tpu.dimension_semantics<subcore_parallel>], iteration_bounds = array<i64: 2, 16>, scalar_prefetch = 0 : i64, scratch_operands = 9 : i64, tpu.core_type = #tpu.core_type<sc_vector_subcore>, window_params = [{transform_indices = #map}, {transform_indices = #map}, {transform_indices = #map}]} {
    %mul3A = arith.constant 16 : i32
    %mul3A_0 = arith.muli %arg0, %mul3A : i32
    %add3A = arith.addi %mul3A_0, %arg1 : i32
    %jit3A = arith.constant 2 : i32
    %div3A = arith.divsi %add3A, %jit3A : i32
    %sign3A = arith.constant 0 : i32
    %sign3A_1 = arith.cmpi sgt, %add3A, %sign3A : i32
    %sign3A_2 = arith.extui %sign3A_1 : i1 to i32
    %sign3A_3 = arith.constant 0 : i32
    %sign3A_4 = arith.cmpi slt, %add3A, %sign3A_3 : i32
    %sign3A_5 = arith.extui %sign3A_4 : i1 to i32
    %sign3A_6 = arith.subi %sign3A_2, %sign3A_5 : i32
    %sign3A_7 = arith.constant 0 : i32
    %sign3A_8 = arith.cmpi sgt, %jit3A, %sign3A_7 : i32
    %sign3A_9 = arith.extui %sign3A_8 : i1 to i32
    %sign3A_10 = arith.constant 0 : i32
    %sign3A_11 = arith.cmpi slt, %jit3A, %sign3A_10 : i32
    %sign3A_12 = arith.extui %sign3A_11 : i1 to i32
    %sign3A_13 = arith.subi %sign3A_9, %sign3A_12 : i32
    %ne3A = arith.cmpi ne, %sign3A_6, %sign3A_13 : i32
    %rem3A = arith.remsi %add3A, %jit3A : i32
    %ne3A_14 = arith.constant 0 : i32
    %ne3A_15 = arith.cmpi ne, %rem3A, %ne3A_14 : i32
    %and3A = arith.andi %ne3A, %ne3A_15 : i1
    %sub3A = arith.constant 1 : i32
    %sub3A_16 = arith.subi %div3A, %sub3A : i32
    %select_n3A = arith.select %and3A, %sub3A_16, %div3A : i32
    %jit3A_17 = arith.constant 2 : i32
    %eq3A = arith.constant 0 : i32
    %eq3A_18 = arith.cmpi eq, %jit3A_17, %eq3A : i32
    %jit3A_19 = arith.constant 1 : i32
    %select_n3A_20 = arith.select %eq3A_18, %jit3A_19, %jit3A_17 : i32
    %rem3A_21 = arith.remsi %add3A, %select_n3A_20 : i32
    %ne3A_22 = arith.constant 0 : i32
    %ne3A_23 = arith.cmpi ne, %rem3A_21, %ne3A_22 : i32
    %lt3A = arith.constant 0 : i32
    %lt3A_24 = arith.cmpi slt, %rem3A_21, %lt3A : i32
    %lt3A_25 = arith.constant 0 : i32
    %lt3A_26 = arith.cmpi slt, %select_n3A_20, %lt3A_25 : i32
    %ne3A_27 = arith.xori %lt3A_24, %lt3A_26 : i1
    %and3A_28 = arith.andi %ne3A_27, %ne3A_23 : i1
    %add3A_29 = arith.addi %rem3A_21, %select_n3A_20 : i32
    %select_n3A_30 = arith.select %and3A_28, %add3A_29, %rem3A_21 : i32
    %mul3A_31 = arith.constant 256 : i32
    %mul3A_32 = arith.muli %select_n3A_30, %mul3A_31 : i32
    %add3A_33 = arith.constant 0 : i32
    %add3A_34 = arith.addi %mul3A_32, %add3A_33 : i32
    %dma_start3A = arith.constant 0 : i32
    %dma_start3A_35 = tpu.memref_slice %arg2[%select_n3A, %add3A_34, %dma_start3A] : memref<16x512x512xi32, #tpu.memory_space<hbm>> -> memref<1x32x512xi32, #tpu.memory_space<hbm>>
    %dma_start3A_36 = tpu.memref_squeeze %dma_start3A_35 : memref<1x32x512xi32, #tpu.memory_space<hbm>> -> memref<32x512xi32, #tpu.memory_space<hbm>>
    %dma_start3A_37 = arith.constant 0 : i32
    %dma_start3A_38 = tpu.memref_slice %arg2[%select_n3A, %add3A_34, %dma_start3A_37] : memref<16x512x512xi32, #tpu.memory_space<hbm>> -> memref<1x32x512xi32, #tpu.memory_space<hbm>>
    %dma_start3A_39 = tpu.memref_squeeze %dma_start3A_38 : memref<1x32x512xi32, #tpu.memory_space<hbm>> -> memref<32x512xi32, #tpu.memory_space<hbm>>
    tpu.enqueue_dma source(%dma_start3A_39 : memref<32x512xi32, #tpu.memory_space<hbm>>) target(%arg5 : memref<32x512xi32, #tpu.memory_space<vmem>>) target_semaphore(%arg10 : memref<!tpu.dma_semaphore, #tpu.memory_space<semaphore_mem>>)
    %dma_start3A_40 = arith.constant 0 : i32
    %dma_start3A_41 = tpu.memref_slice %arg3[%select_n3A, %add3A_34, %dma_start3A_40] : memref<16x512x512xi32, #tpu.memory_space<hbm>> -> memref<1x32x512xi32, #tpu.memory_space<hbm>>
    %dma_start3A_42 = tpu.memref_squeeze %dma_start3A_41 : memref<1x32x512xi32, #tpu.memory_space<hbm>> -> memref<32x512xi32, #tpu.memory_space<hbm>>
    %dma_start3A_43 = arith.constant 0 : i32
    %dma_start3A_44 = tpu.memref_slice %arg3[%select_n3A, %add3A_34, %dma_start3A_43] : memref<16x512x512xi32, #tpu.memory_space<hbm>> -> memref<1x32x512xi32, #tpu.memory_space<hbm>>
    %dma_start3A_45 = tpu.memref_squeeze %dma_start3A_44 : memref<1x32x512xi32, #tpu.memory_space<hbm>> -> memref<32x512xi32, #tpu.memory_space<hbm>>
    tpu.enqueue_dma source(%dma_start3A_45 : memref<32x512xi32, #tpu.memory_space<hbm>>) target(%arg7 : memref<32x512xi32, #tpu.memory_space<vmem>>) target_semaphore(%arg12 : memref<!tpu.dma_semaphore, #tpu.memory_space<semaphore_mem>>)
    %broadcast_in_dim3A = arith.constant 0.000000e+00 : f32
    %broadcast_in_dim3A_46 = vector.broadcast %broadcast_in_dim3A : f32 to vector<16xf32>
    %parallel_loop3A = arith.constant 0 : i32
    %parallel_loop3A_47 = arith.constant 22528 : i32
    %parallel_loop3A_48 = arith.constant 16 : i32
    scf.for %parallel_loop3A_268 = %parallel_loop3A to %parallel_loop3A_47 step %parallel_loop3A_48  : i32 {
      %parallel_loop3A_269 = arith.constant 7 : i32
      %parallel_loop3A_270 = arith.shrsi %parallel_loop3A_268, %parallel_loop3A_269 : i32
      %parallel_loop3A_271 = arith.constant 127 : i32
      %parallel_loop3A_272 = arith.andi %parallel_loop3A_268, %parallel_loop3A_271 : i32
      %parallel_loop3A_273 = arith.index_cast %parallel_loop3A_270 : i32 to index
      %parallel_loop3A_274 = arith.index_cast %parallel_loop3A_272 : i32 to index
      %parallel_loop3A_275 = tpu.vector_load %arg9[%parallel_loop3A_273, %parallel_loop3A_274] {strides = array<i32>} : memref<176x128xf32, #tpu.memory_space<vmem>>, vector<16xf32>,
      tpu.vector_store %arg9[%parallel_loop3A_273, %parallel_loop3A_274], %broadcast_in_dim3A_46 {strides = array<i32>} : memref<176x128xf32, #tpu.memory_space<vmem>>, vector<16xf32>,
    } {sc.loop_unroll_factor = 8 : i64, sc.parallel_access}
    %broadcast_in_dim3A_49 = arith.constant 1.000000e+00 : f32
    %broadcast_in_dim3A_50 = vector.broadcast %broadcast_in_dim3A_49 : f32 to vector<16xf32>
    %add3A_51 = arith.constant 32 : i32
    %add3A_52 = arith.addi %mul3A_32, %add3A_51 : i32
    %dma_start3A_53 = arith.constant 0 : i32
    %dma_start3A_54 = tpu.memref_slice %arg2[%select_n3A, %add3A_52, %dma_start3A_53] : memref<16x512x512xi32, #tpu.memory_space<hbm>> -> memref<1x32x512xi32, #tpu.memory_space<hbm>>
    %dma_start3A_55 = tpu.memref_squeeze %dma_start3A_54 : memref<1x32x512xi32, #tpu.memory_space<hbm>> -> memref<32x512xi32, #tpu.memory_space<hbm>>
    %dma_start3A_56 = arith.constant 0 : i32
    %dma_start3A_57 = tpu.memref_slice %arg2[%select_n3A, %add3A_52, %dma_start3A_56] : memref<16x512x512xi32, #tpu.memory_space<hbm>> -> memref<1x32x512xi32, #tpu.memory_space<hbm>>
    %dma_start3A_58 = tpu.memref_squeeze %dma_start3A_57 : memref<1x32x512xi32, #tpu.memory_space<hbm>> -> memref<32x512xi32, #tpu.memory_space<hbm>>
    tpu.enqueue_dma source(%dma_start3A_58 : memref<32x512xi32, #tpu.memory_space<hbm>>) target(%arg6 : memref<32x512xi32, #tpu.memory_space<vmem>>) target_semaphore(%arg11 : memref<!tpu.dma_semaphore, #tpu.memory_space<semaphore_mem>>)
    %dma_start3A_59 = arith.constant 0 : i32
    %dma_start3A_60 = tpu.memref_slice %arg3[%select_n3A, %add3A_52, %dma_start3A_59] : memref<16x512x512xi32, #tpu.memory_space<hbm>> -> memref<1x32x512xi32, #tpu.memory_space<hbm>>
    %dma_start3A_61 = tpu.memref_squeeze %dma_start3A_60 : memref<1x32x512xi32, #tpu.memory_space<hbm>> -> memref<32x512xi32, #tpu.memory_space<hbm>>
    %dma_start3A_62 = arith.constant 0 : i32
    %dma_start3A_63 = tpu.memref_slice %arg3[%select_n3A, %add3A_52, %dma_start3A_62] : memref<16x512x512xi32, #tpu.memory_space<hbm>> -> memref<1x32x512xi32, #tpu.memory_space<hbm>>
    %dma_start3A_64 = tpu.memref_squeeze %dma_start3A_63 : memref<1x32x512xi32, #tpu.memory_space<hbm>> -> memref<32x512xi32, #tpu.memory_space<hbm>>
    tpu.enqueue_dma source(%dma_start3A_64 : memref<32x512xi32, #tpu.memory_space<hbm>>) target(%arg8 : memref<32x512xi32, #tpu.memory_space<vmem>>) target_semaphore(%arg13 : memref<!tpu.dma_semaphore, #tpu.memory_space<semaphore_mem>>)
    %dma_wait3A = arith.constant 0 : i32
    %dma_wait3A_65 = tpu.memref_slice %arg2[%select_n3A, %add3A_34, %dma_wait3A] : memref<16x512x512xi32, #tpu.memory_space<hbm>> -> memref<1x32x512xi32, #tpu.memory_space<hbm>>
    %dma_wait3A_66 = tpu.memref_squeeze %dma_wait3A_65 : memref<1x32x512xi32, #tpu.memory_space<hbm>> -> memref<32x512xi32, #tpu.memory_space<hbm>>
    %dma_wait3A_67 = arith.constant 0 : i32
    %dma_wait3A_68 = tpu.memref_slice %arg2[%select_n3A, %add3A_34, %dma_wait3A_67] : memref<16x512x512xi32, #tpu.memory_space<hbm>> -> memref<1x32x512xi32, #tpu.memory_space<hbm>>
    %dma_wait3A_69 = tpu.memref_squeeze %dma_wait3A_68 : memref<1x32x512xi32, #tpu.memory_space<hbm>> -> memref<32x512xi32, #tpu.memory_space<hbm>>
    tpu.wait_dma2 semaphore(%arg10 : memref<!tpu.dma_semaphore, #tpu.memory_space<semaphore_mem>>) src(%dma_wait3A_69 : memref<32x512xi32, #tpu.memory_space<hbm>>) dst(%arg5 : memref<32x512xi32, #tpu.memory_space<vmem>>)
    %dma_wait3A_70 = arith.constant 0 : i32
    %dma_wait3A_71 = tpu.memref_slice %arg3[%select_n3A, %add3A_34, %dma_wait3A_70] : memref<16x512x512xi32, #tpu.memory_space<hbm>> -> memref<1x32x512xi32, #tpu.memory_space<hbm>>
    %dma_wait3A_72 = tpu.memref_squeeze %dma_wait3A_71 : memref<1x32x512xi32, #tpu.memory_space<hbm>> -> memref<32x512xi32, #tpu.memory_space<hbm>>
    %dma_wait3A_73 = arith.constant 0 : i32
    %dma_wait3A_74 = tpu.memref_slice %arg3[%select_n3A, %add3A_34, %dma_wait3A_73] : memref<16x512x512xi32, #tpu.memory_space<hbm>> -> memref<1x32x512xi32, #tpu.memory_space<hbm>>
    %dma_wait3A_75 = tpu.memref_squeeze %dma_wait3A_74 : memref<1x32x512xi32, #tpu.memory_space<hbm>> -> memref<32x512xi32, #tpu.memory_space<hbm>>
    tpu.wait_dma2 semaphore(%arg12 : memref<!tpu.dma_semaphore, #tpu.memory_space<semaphore_mem>>) src(%dma_wait3A_75 : memref<32x512xi32, #tpu.memory_space<hbm>>) dst(%arg7 : memref<32x512xi32, #tpu.memory_space<vmem>>)
    %parallel_loop3A_76 = arith.constant 0 : i32
    %parallel_loop3A_77 = arith.constant 16384 : i32
    %parallel_loop3A_78 = arith.constant 16 : i32
    scf.for %parallel_loop3A_268 = %parallel_loop3A_76 to %parallel_loop3A_77 step %parallel_loop3A_78  : i32 {
      %parallel_loop3A_269 = arith.constant 9 : i32
      %parallel_loop3A_270 = arith.shrsi %parallel_loop3A_268, %parallel_loop3A_269 : i32
      %parallel_loop3A_271 = arith.constant 511 : i32
      %parallel_loop3A_272 = arith.andi %parallel_loop3A_268, %parallel_loop3A_271 : i32
      %parallel_loop3A_273 = arith.index_cast %parallel_loop3A_270 : i32 to index
      %parallel_loop3A_274 = arith.index_cast %parallel_loop3A_272 : i32 to index
      %parallel_loop3A_275 = tpu.vector_load %arg5[%parallel_loop3A_273, %parallel_loop3A_274] {strides = array<i32>} : memref<32x512xi32, #tpu.memory_space<vmem>>, vector<16xi32>,
      %parallel_loop3A_276 = arith.index_cast %parallel_loop3A_270 : i32 to index
      %parallel_loop3A_277 = arith.index_cast %parallel_loop3A_272 : i32 to index
      %parallel_loop3A_278 = tpu.vector_load %arg7[%parallel_loop3A_276, %parallel_loop3A_277] {strides = array<i32>} : memref<32x512xi32, #tpu.memory_space<vmem>>, vector<16xi32>,
      %parallel_loop3A_279 = arith.constant 150 : i32
      %parallel_loop3A_280 = vector.broadcast %parallel_loop3A_279 : i32 to vector<16xi32>
      %parallel_loop3A_281 = arith.muli %parallel_loop3A_275, %parallel_loop3A_280 : vector<16xi32>
      %parallel_loop3A_282 = arith.addi %parallel_loop3A_281, %parallel_loop3A_278 : vector<16xi32>
      %parallel_loop3A_283 = arith.constant 7 : i32
      %parallel_loop3A_284 = vector.broadcast %parallel_loop3A_283 : i32 to vector<16xi32>
      %parallel_loop3A_285 = arith.shrsi %parallel_loop3A_282, %parallel_loop3A_284 : vector<16xi32>
      %parallel_loop3A_286 = arith.constant 127 : i32
      %parallel_loop3A_287 = vector.broadcast %parallel_loop3A_286 : i32 to vector<16xi32>
      %parallel_loop3A_288 = arith.andi %parallel_loop3A_282, %parallel_loop3A_287 : vector<16xi32>
      tpu.vector_store_idx %arg9[%parallel_loop3A_285, %parallel_loop3A_288], %broadcast_in_dim3A_50 {add = true} : memref<176x128xf32, #tpu.memory_space<vmem>>[vector<16xi32>, vector<16xi32>], vector<16xf32>,
    } {sc.loop_unroll_factor = 8 : i64, sc.parallel_access}
    %add3A_79 = arith.constant 64 : i32
    %add3A_80 = arith.addi %mul3A_32, %add3A_79 : i32
    %dma_start3A_81 = arith.constant 0 : i32
    %dma_start3A_82 = tpu.memref_slice %arg2[%select_n3A, %add3A_80, %dma_start3A_81] : memref<16x512x512xi32, #tpu.memory_space<hbm>> -> memref<1x32x512xi32, #tpu.memory_space<hbm>>
    %dma_start3A_83 = tpu.memref_squeeze %dma_start3A_82 : memref<1x32x512xi32, #tpu.memory_space<hbm>> -> memref<32x512xi32, #tpu.memory_space<hbm>>
    %dma_start3A_84 = arith.constant 0 : i32
    %dma_start3A_85 = tpu.memref_slice %arg2[%select_n3A, %add3A_80, %dma_start3A_84] : memref<16x512x512xi32, #tpu.memory_space<hbm>> -> memref<1x32x512xi32, #tpu.memory_space<hbm>>
    %dma_start3A_86 = tpu.memref_squeeze %dma_start3A_85 : memref<1x32x512xi32, #tpu.memory_space<hbm>> -> memref<32x512xi32, #tpu.memory_space<hbm>>
    tpu.enqueue_dma source(%dma_start3A_86 : memref<32x512xi32, #tpu.memory_space<hbm>>) target(%arg5 : memref<32x512xi32, #tpu.memory_space<vmem>>) target_semaphore(%arg10 : memref<!tpu.dma_semaphore, #tpu.memory_space<semaphore_mem>>)
    %dma_start3A_87 = arith.constant 0 : i32
    %dma_start3A_88 = tpu.memref_slice %arg3[%select_n3A, %add3A_80, %dma_start3A_87] : memref<16x512x512xi32, #tpu.memory_space<hbm>> -> memref<1x32x512xi32, #tpu.memory_space<hbm>>
    %dma_start3A_89 = tpu.memref_squeeze %dma_start3A_88 : memref<1x32x512xi32, #tpu.memory_space<hbm>> -> memref<32x512xi32, #tpu.memory_space<hbm>>
    %dma_start3A_90 = arith.constant 0 : i32
    %dma_start3A_91 = tpu.memref_slice %arg3[%select_n3A, %add3A_80, %dma_start3A_90] : memref<16x512x512xi32, #tpu.memory_space<hbm>> -> memref<1x32x512xi32, #tpu.memory_space<hbm>>
    %dma_start3A_92 = tpu.memref_squeeze %dma_start3A_91 : memref<1x32x512xi32, #tpu.memory_space<hbm>> -> memref<32x512xi32, #tpu.memory_space<hbm>>
    tpu.enqueue_dma source(%dma_start3A_92 : memref<32x512xi32, #tpu.memory_space<hbm>>) target(%arg7 : memref<32x512xi32, #tpu.memory_space<vmem>>) target_semaphore(%arg12 : memref<!tpu.dma_semaphore, #tpu.memory_space<semaphore_mem>>)
    %dma_wait3A_93 = arith.constant 0 : i32
    %dma_wait3A_94 = tpu.memref_slice %arg2[%select_n3A, %add3A_52, %dma_wait3A_93] : memref<16x512x512xi32, #tpu.memory_space<hbm>> -> memref<1x32x512xi32, #tpu.memory_space<hbm>>
    %dma_wait3A_95 = tpu.memref_squeeze %dma_wait3A_94 : memref<1x32x512xi32, #tpu.memory_space<hbm>> -> memref<32x512xi32, #tpu.memory_space<hbm>>
    %dma_wait3A_96 = arith.constant 0 : i32
    %dma_wait3A_97 = tpu.memref_slice %arg2[%select_n3A, %add3A_52, %dma_wait3A_96] : memref<16x512x512xi32, #tpu.memory_space<hbm>> -> memref<1x32x512xi32, #tpu.memory_space<hbm>>
    %dma_wait3A_98 = tpu.memref_squeeze %dma_wait3A_97 : memref<1x32x512xi32, #tpu.memory_space<hbm>> -> memref<32x512xi32, #tpu.memory_space<hbm>>
    tpu.wait_dma2 semaphore(%arg11 : memref<!tpu.dma_semaphore, #tpu.memory_space<semaphore_mem>>) src(%dma_wait3A_98 : memref<32x512xi32, #tpu.memory_space<hbm>>) dst(%arg6 : memref<32x512xi32, #tpu.memory_space<vmem>>)
    %dma_wait3A_99 = arith.constant 0 : i32
    %dma_wait3A_100 = tpu.memref_slice %arg3[%select_n3A, %add3A_52, %dma_wait3A_99] : memref<16x512x512xi32, #tpu.memory_space<hbm>> -> memref<1x32x512xi32, #tpu.memory_space<hbm>>
    %dma_wait3A_101 = tpu.memref_squeeze %dma_wait3A_100 : memref<1x32x512xi32, #tpu.memory_space<hbm>> -> memref<32x512xi32, #tpu.memory_space<hbm>>
    %dma_wait3A_102 = arith.constant 0 : i32
    %dma_wait3A_103 = tpu.memref_slice %arg3[%select_n3A, %add3A_52, %dma_wait3A_102] : memref<16x512x512xi32, #tpu.memory_space<hbm>> -> memref<1x32x512xi32, #tpu.memory_space<hbm>>
    %dma_wait3A_104 = tpu.memref_squeeze %dma_wait3A_103 : memref<1x32x512xi32, #tpu.memory_space<hbm>> -> memref<32x512xi32, #tpu.memory_space<hbm>>
    tpu.wait_dma2 semaphore(%arg13 : memref<!tpu.dma_semaphore, #tpu.memory_space<semaphore_mem>>) src(%dma_wait3A_104 : memref<32x512xi32, #tpu.memory_space<hbm>>) dst(%arg8 : memref<32x512xi32, #tpu.memory_space<vmem>>)
    %parallel_loop3A_105 = arith.constant 0 : i32
    %parallel_loop3A_106 = arith.constant 16384 : i32
    %parallel_loop3A_107 = arith.constant 16 : i32
    scf.for %parallel_loop3A_268 = %parallel_loop3A_105 to %parallel_loop3A_106 step %parallel_loop3A_107  : i32 {
      %parallel_loop3A_269 = arith.constant 9 : i32
      %parallel_loop3A_270 = arith.shrsi %parallel_loop3A_268, %parallel_loop3A_269 : i32
      %parallel_loop3A_271 = arith.constant 511 : i32
      %parallel_loop3A_272 = arith.andi %parallel_loop3A_268, %parallel_loop3A_271 : i32
      %parallel_loop3A_273 = arith.index_cast %parallel_loop3A_270 : i32 to index
      %parallel_loop3A_274 = arith.index_cast %parallel_loop3A_272 : i32 to index
      %parallel_loop3A_275 = tpu.vector_load %arg6[%parallel_loop3A_273, %parallel_loop3A_274] {strides = array<i32>} : memref<32x512xi32, #tpu.memory_space<vmem>>, vector<16xi32>,
      %parallel_loop3A_276 = arith.index_cast %parallel_loop3A_270 : i32 to index
      %parallel_loop3A_277 = arith.index_cast %parallel_loop3A_272 : i32 to index
      %parallel_loop3A_278 = tpu.vector_load %arg8[%parallel_loop3A_276, %parallel_loop3A_277] {strides = array<i32>} : memref<32x512xi32, #tpu.memory_space<vmem>>, vector<16xi32>,
      %parallel_loop3A_279 = arith.constant 150 : i32
      %parallel_loop3A_280 = vector.broadcast %parallel_loop3A_279 : i32 to vector<16xi32>
      %parallel_loop3A_281 = arith.muli %parallel_loop3A_275, %parallel_loop3A_280 : vector<16xi32>
      %parallel_loop3A_282 = arith.addi %parallel_loop3A_281, %parallel_loop3A_278 : vector<16xi32>
      %parallel_loop3A_283 = arith.constant 7 : i32
      %parallel_loop3A_284 = vector.broadcast %parallel_loop3A_283 : i32 to vector<16xi32>
      %parallel_loop3A_285 = arith.shrsi %parallel_loop3A_282, %parallel_loop3A_284 : vector<16xi32>
      %parallel_loop3A_286 = arith.constant 127 : i32
      %parallel_loop3A_287 = vector.broadcast %parallel_loop3A_286 : i32 to vector<16xi32>
      %parallel_loop3A_288 = arith.andi %parallel_loop3A_282, %parallel_loop3A_287 : vector<16xi32>
      tpu.vector_store_idx %arg9[%parallel_loop3A_285, %parallel_loop3A_288], %broadcast_in_dim3A_50 {add = true} : memref<176x128xf32, #tpu.memory_space<vmem>>[vector<16xi32>, vector<16xi32>], vector<16xf32>,
    } {sc.loop_unroll_factor = 8 : i64, sc.parallel_access}
    %add3A_108 = arith.constant 96 : i32
    %add3A_109 = arith.addi %mul3A_32, %add3A_108 : i32
    %dma_start3A_110 = arith.constant 0 : i32
    %dma_start3A_111 = tpu.memref_slice %arg2[%select_n3A, %add3A_109, %dma_start3A_110] : memref<16x512x512xi32, #tpu.memory_space<hbm>> -> memref<1x32x512xi32, #tpu.memory_space<hbm>>
    %dma_start3A_112 = tpu.memref_squeeze %dma_start3A_111 : memref<1x32x512xi32, #tpu.memory_space<hbm>> -> memref<32x512xi32, #tpu.memory_space<hbm>>
    %dma_start3A_113 = arith.constant 0 : i32
    %dma_start3A_114 = tpu.memref_slice %arg2[%select_n3A, %add3A_109, %dma_start3A_113] : memref<16x512x512xi32, #tpu.memory_space<hbm>> -> memref<1x32x512xi32, #tpu.memory_space<hbm>>
    %dma_start3A_115 = tpu.memref_squeeze %dma_start3A_114 : memref<1x32x512xi32, #tpu.memory_space<hbm>> -> memref<32x512xi32, #tpu.memory_space<hbm>>
    tpu.enqueue_dma source(%dma_start3A_115 : memref<32x512xi32, #tpu.memory_space<hbm>>) target(%arg6 : memref<32x512xi32, #tpu.memory_space<vmem>>) target_semaphore(%arg11 : memref<!tpu.dma_semaphore, #tpu.memory_space<semaphore_mem>>)
    %dma_start3A_116 = arith.constant 0 : i32
    %dma_start3A_117 = tpu.memref_slice %arg3[%select_n3A, %add3A_109, %dma_start3A_116] : memref<16x512x512xi32, #tpu.memory_space<hbm>> -> memref<1x32x512xi32, #tpu.memory_space<hbm>>
    %dma_start3A_118 = tpu.memref_squeeze %dma_start3A_117 : memref<1x32x512xi32, #tpu.memory_space<hbm>> -> memref<32x512xi32, #tpu.memory_space<hbm>>
    %dma_start3A_119 = arith.constant 0 : i32
    %dma_start3A_120 = tpu.memref_slice %arg3[%select_n3A, %add3A_109, %dma_start3A_119] : memref<16x512x512xi32, #tpu.memory_space<hbm>> -> memref<1x32x512xi32, #tpu.memory_space<hbm>>
    %dma_start3A_121 = tpu.memref_squeeze %dma_start3A_120 : memref<1x32x512xi32, #tpu.memory_space<hbm>> -> memref<32x512xi32, #tpu.memory_space<hbm>>
    tpu.enqueue_dma source(%dma_start3A_121 : memref<32x512xi32, #tpu.memory_space<hbm>>) target(%arg8 : memref<32x512xi32, #tpu.memory_space<vmem>>) target_semaphore(%arg13 : memref<!tpu.dma_semaphore, #tpu.memory_space<semaphore_mem>>)
    %dma_wait3A_122 = arith.constant 0 : i32
    %dma_wait3A_123 = tpu.memref_slice %arg2[%select_n3A, %add3A_80, %dma_wait3A_122] : memref<16x512x512xi32, #tpu.memory_space<hbm>> -> memref<1x32x512xi32, #tpu.memory_space<hbm>>
    %dma_wait3A_124 = tpu.memref_squeeze %dma_wait3A_123 : memref<1x32x512xi32, #tpu.memory_space<hbm>> -> memref<32x512xi32, #tpu.memory_space<hbm>>
    %dma_wait3A_125 = arith.constant 0 : i32
    %dma_wait3A_126 = tpu.memref_slice %arg2[%select_n3A, %add3A_80, %dma_wait3A_125] : memref<16x512x512xi32, #tpu.memory_space<hbm>> -> memref<1x32x512xi32, #tpu.memory_space<hbm>>
    %dma_wait3A_127 = tpu.memref_squeeze %dma_wait3A_126 : memref<1x32x512xi32, #tpu.memory_space<hbm>> -> memref<32x512xi32, #tpu.memory_space<hbm>>
    tpu.wait_dma2 semaphore(%arg10 : memref<!tpu.dma_semaphore, #tpu.memory_space<semaphore_mem>>) src(%dma_wait3A_127 : memref<32x512xi32, #tpu.memory_space<hbm>>) dst(%arg5 : memref<32x512xi32, #tpu.memory_space<vmem>>)
    %dma_wait3A_128 = arith.constant 0 : i32
    %dma_wait3A_129 = tpu.memref_slice %arg3[%select_n3A, %add3A_80, %dma_wait3A_128] : memref<16x512x512xi32, #tpu.memory_space<hbm>> -> memref<1x32x512xi32, #tpu.memory_space<hbm>>
    %dma_wait3A_130 = tpu.memref_squeeze %dma_wait3A_129 : memref<1x32x512xi32, #tpu.memory_space<hbm>> -> memref<32x512xi32, #tpu.memory_space<hbm>>
    %dma_wait3A_131 = arith.constant 0 : i32
    %dma_wait3A_132 = tpu.memref_slice %arg3[%select_n3A, %add3A_80, %dma_wait3A_131] : memref<16x512x512xi32, #tpu.memory_space<hbm>> -> memref<1x32x512xi32, #tpu.memory_space<hbm>>
    %dma_wait3A_133 = tpu.memref_squeeze %dma_wait3A_132 : memref<1x32x512xi32, #tpu.memory_space<hbm>> -> memref<32x512xi32, #tpu.memory_space<hbm>>
    tpu.wait_dma2 semaphore(%arg12 : memref<!tpu.dma_semaphore, #tpu.memory_space<semaphore_mem>>) src(%dma_wait3A_133 : memref<32x512xi32, #tpu.memory_space<hbm>>) dst(%arg7 : memref<32x512xi32, #tpu.memory_space<vmem>>)
    %parallel_loop3A_134 = arith.constant 0 : i32
    %parallel_loop3A_135 = arith.constant 16384 : i32
    %parallel_loop3A_136 = arith.constant 16 : i32
    scf.for %parallel_loop3A_268 = %parallel_loop3A_134 to %parallel_loop3A_135 step %parallel_loop3A_136  : i32 {
      %parallel_loop3A_269 = arith.constant 9 : i32
      %parallel_loop3A_270 = arith.shrsi %parallel_loop3A_268, %parallel_loop3A_269 : i32
      %parallel_loop3A_271 = arith.constant 511 : i32
      %parallel_loop3A_272 = arith.andi %parallel_loop3A_268, %parallel_loop3A_271 : i32
      %parallel_loop3A_273 = arith.index_cast %parallel_loop3A_270 : i32 to index
      %parallel_loop3A_274 = arith.index_cast %parallel_loop3A_272 : i32 to index
      %parallel_loop3A_275 = tpu.vector_load %arg5[%parallel_loop3A_273, %parallel_loop3A_274] {strides = array<i32>} : memref<32x512xi32, #tpu.memory_space<vmem>>, vector<16xi32>,
      %parallel_loop3A_276 = arith.index_cast %parallel_loop3A_270 : i32 to index
      %parallel_loop3A_277 = arith.index_cast %parallel_loop3A_272 : i32 to index
      %parallel_loop3A_278 = tpu.vector_load %arg7[%parallel_loop3A_276, %parallel_loop3A_277] {strides = array<i32>} : memref<32x512xi32, #tpu.memory_space<vmem>>, vector<16xi32>,
      %parallel_loop3A_279 = arith.constant 150 : i32
      %parallel_loop3A_280 = vector.broadcast %parallel_loop3A_279 : i32 to vector<16xi32>
      %parallel_loop3A_281 = arith.muli %parallel_loop3A_275, %parallel_loop3A_280 : vector<16xi32>
      %parallel_loop3A_282 = arith.addi %parallel_loop3A_281, %parallel_loop3A_278 : vector<16xi32>
      %parallel_loop3A_283 = arith.constant 7 : i32
      %parallel_loop3A_284 = vector.broadcast %parallel_loop3A_283 : i32 to vector<16xi32>
      %parallel_loop3A_285 = arith.shrsi %parallel_loop3A_282, %parallel_loop3A_284 : vector<16xi32>
      %parallel_loop3A_286 = arith.constant 127 : i32
      %parallel_loop3A_287 = vector.broadcast %parallel_loop3A_286 : i32 to vector<16xi32>
      %parallel_loop3A_288 = arith.andi %parallel_loop3A_282, %parallel_loop3A_287 : vector<16xi32>
      tpu.vector_store_idx %arg9[%parallel_loop3A_285, %parallel_loop3A_288], %broadcast_in_dim3A_50 {add = true} : memref<176x128xf32, #tpu.memory_space<vmem>>[vector<16xi32>, vector<16xi32>], vector<16xf32>,
    } {sc.loop_unroll_factor = 8 : i64, sc.parallel_access}
    %add3A_137 = arith.constant 128 : i32
    %add3A_138 = arith.addi %mul3A_32, %add3A_137 : i32
    %dma_start3A_139 = arith.constant 0 : i32
    %dma_start3A_140 = tpu.memref_slice %arg2[%select_n3A, %add3A_138, %dma_start3A_139] : memref<16x512x512xi32, #tpu.memory_space<hbm>> -> memref<1x32x512xi32, #tpu.memory_space<hbm>>
    %dma_start3A_141 = tpu.memref_squeeze %dma_start3A_140 : memref<1x32x512xi32, #tpu.memory_space<hbm>> -> memref<32x512xi32, #tpu.memory_space<hbm>>
    %dma_start3A_142 = arith.constant 0 : i32
    %dma_start3A_143 = tpu.memref_slice %arg2[%select_n3A, %add3A_138, %dma_start3A_142] : memref<16x512x512xi32, #tpu.memory_space<hbm>> -> memref<1x32x512xi32, #tpu.memory_space<hbm>>
    %dma_start3A_144 = tpu.memref_squeeze %dma_start3A_143 : memref<1x32x512xi32, #tpu.memory_space<hbm>> -> memref<32x512xi32, #tpu.memory_space<hbm>>
    tpu.enqueue_dma source(%dma_start3A_144 : memref<32x512xi32, #tpu.memory_space<hbm>>) target(%arg5 : memref<32x512xi32, #tpu.memory_space<vmem>>) target_semaphore(%arg10 : memref<!tpu.dma_semaphore, #tpu.memory_space<semaphore_mem>>)
    %dma_start3A_145 = arith.constant 0 : i32
    %dma_start3A_146 = tpu.memref_slice %arg3[%select_n3A, %add3A_138, %dma_start3A_145] : memref<16x512x512xi32, #tpu.memory_space<hbm>> -> memref<1x32x512xi32, #tpu.memory_space<hbm>>
    %dma_start3A_147 = tpu.memref_squeeze %dma_start3A_146 : memref<1x32x512xi32, #tpu.memory_space<hbm>> -> memref<32x512xi32, #tpu.memory_space<hbm>>
    %dma_start3A_148 = arith.constant 0 : i32
    %dma_start3A_149 = tpu.memref_slice %arg3[%select_n3A, %add3A_138, %dma_start3A_148] : memref<16x512x512xi32, #tpu.memory_space<hbm>> -> memref<1x32x512xi32, #tpu.memory_space<hbm>>
    %dma_start3A_150 = tpu.memref_squeeze %dma_start3A_149 : memref<1x32x512xi32, #tpu.memory_space<hbm>> -> memref<32x512xi32, #tpu.memory_space<hbm>>
    tpu.enqueue_dma source(%dma_start3A_150 : memref<32x512xi32, #tpu.memory_space<hbm>>) target(%arg7 : memref<32x512xi32, #tpu.memory_space<vmem>>) target_semaphore(%arg12 : memref<!tpu.dma_semaphore, #tpu.memory_space<semaphore_mem>>)
    %dma_wait3A_151 = arith.constant 0 : i32
    %dma_wait3A_152 = tpu.memref_slice %arg2[%select_n3A, %add3A_109, %dma_wait3A_151] : memref<16x512x512xi32, #tpu.memory_space<hbm>> -> memref<1x32x512xi32, #tpu.memory_space<hbm>>
    %dma_wait3A_153 = tpu.memref_squeeze %dma_wait3A_152 : memref<1x32x512xi32, #tpu.memory_space<hbm>> -> memref<32x512xi32, #tpu.memory_space<hbm>>
    %dma_wait3A_154 = arith.constant 0 : i32
    %dma_wait3A_155 = tpu.memref_slice %arg2[%select_n3A, %add3A_109, %dma_wait3A_154] : memref<16x512x512xi32, #tpu.memory_space<hbm>> -> memref<1x32x512xi32, #tpu.memory_space<hbm>>
    %dma_wait3A_156 = tpu.memref_squeeze %dma_wait3A_155 : memref<1x32x512xi32, #tpu.memory_space<hbm>> -> memref<32x512xi32, #tpu.memory_space<hbm>>
    tpu.wait_dma2 semaphore(%arg11 : memref<!tpu.dma_semaphore, #tpu.memory_space<semaphore_mem>>) src(%dma_wait3A_156 : memref<32x512xi32, #tpu.memory_space<hbm>>) dst(%arg6 : memref<32x512xi32, #tpu.memory_space<vmem>>)
    %dma_wait3A_157 = arith.constant 0 : i32
    %dma_wait3A_158 = tpu.memref_slice %arg3[%select_n3A, %add3A_109, %dma_wait3A_157] : memref<16x512x512xi32, #tpu.memory_space<hbm>> -> memref<1x32x512xi32, #tpu.memory_space<hbm>>
    %dma_wait3A_159 = tpu.memref_squeeze %dma_wait3A_158 : memref<1x32x512xi32, #tpu.memory_space<hbm>> -> memref<32x512xi32, #tpu.memory_space<hbm>>
    %dma_wait3A_160 = arith.constant 0 : i32
    %dma_wait3A_161 = tpu.memref_slice %arg3[%select_n3A, %add3A_109, %dma_wait3A_160] : memref<16x512x512xi32, #tpu.memory_space<hbm>> -> memref<1x32x512xi32, #tpu.memory_space<hbm>>
    %dma_wait3A_162 = tpu.memref_squeeze %dma_wait3A_161 : memref<1x32x512xi32, #tpu.memory_space<hbm>> -> memref<32x512xi32, #tpu.memory_space<hbm>>
    tpu.wait_dma2 semaphore(%arg13 : memref<!tpu.dma_semaphore, #tpu.memory_space<semaphore_mem>>) src(%dma_wait3A_162 : memref<32x512xi32, #tpu.memory_space<hbm>>) dst(%arg8 : memref<32x512xi32, #tpu.memory_space<vmem>>)
    %parallel_loop3A_163 = arith.constant 0 : i32
    %parallel_loop3A_164 = arith.constant 16384 : i32
    %parallel_loop3A_165 = arith.constant 16 : i32
    scf.for %parallel_loop3A_268 = %parallel_loop3A_163 to %parallel_loop3A_164 step %parallel_loop3A_165  : i32 {
      %parallel_loop3A_269 = arith.constant 9 : i32
      %parallel_loop3A_270 = arith.shrsi %parallel_loop3A_268, %parallel_loop3A_269 : i32
      %parallel_loop3A_271 = arith.constant 511 : i32
      %parallel_loop3A_272 = arith.andi %parallel_loop3A_268, %parallel_loop3A_271 : i32
      %parallel_loop3A_273 = arith.index_cast %parallel_loop3A_270 : i32 to index
      %parallel_loop3A_274 = arith.index_cast %parallel_loop3A_272 : i32 to index
      %parallel_loop3A_275 = tpu.vector_load %arg6[%parallel_loop3A_273, %parallel_loop3A_274] {strides = array<i32>} : memref<32x512xi32, #tpu.memory_space<vmem>>, vector<16xi32>,
      %parallel_loop3A_276 = arith.index_cast %parallel_loop3A_270 : i32 to index
      %parallel_loop3A_277 = arith.index_cast %parallel_loop3A_272 : i32 to index
      %parallel_loop3A_278 = tpu.vector_load %arg8[%parallel_loop3A_276, %parallel_loop3A_277] {strides = array<i32>} : memref<32x512xi32, #tpu.memory_space<vmem>>, vector<16xi32>,
      %parallel_loop3A_279 = arith.constant 150 : i32
      %parallel_loop3A_280 = vector.broadcast %parallel_loop3A_279 : i32 to vector<16xi32>
      %parallel_loop3A_281 = arith.muli %parallel_loop3A_275, %parallel_loop3A_280 : vector<16xi32>
      %parallel_loop3A_282 = arith.addi %parallel_loop3A_281, %parallel_loop3A_278 : vector<16xi32>
      %parallel_loop3A_283 = arith.constant 7 : i32
      %parallel_loop3A_284 = vector.broadcast %parallel_loop3A_283 : i32 to vector<16xi32>
      %parallel_loop3A_285 = arith.shrsi %parallel_loop3A_282, %parallel_loop3A_284 : vector<16xi32>
      %parallel_loop3A_286 = arith.constant 127 : i32
      %parallel_loop3A_287 = vector.broadcast %parallel_loop3A_286 : i32 to vector<16xi32>
      %parallel_loop3A_288 = arith.andi %parallel_loop3A_282, %parallel_loop3A_287 : vector<16xi32>
      tpu.vector_store_idx %arg9[%parallel_loop3A_285, %parallel_loop3A_288], %broadcast_in_dim3A_50 {add = true} : memref<176x128xf32, #tpu.memory_space<vmem>>[vector<16xi32>, vector<16xi32>], vector<16xf32>,
    } {sc.loop_unroll_factor = 8 : i64, sc.parallel_access}
    %add3A_166 = arith.constant 160 : i32
    %add3A_167 = arith.addi %mul3A_32, %add3A_166 : i32
    %dma_start3A_168 = arith.constant 0 : i32
    %dma_start3A_169 = tpu.memref_slice %arg2[%select_n3A, %add3A_167, %dma_start3A_168] : memref<16x512x512xi32, #tpu.memory_space<hbm>> -> memref<1x32x512xi32, #tpu.memory_space<hbm>>
    %dma_start3A_170 = tpu.memref_squeeze %dma_start3A_169 : memref<1x32x512xi32, #tpu.memory_space<hbm>> -> memref<32x512xi32, #tpu.memory_space<hbm>>
    %dma_start3A_171 = arith.constant 0 : i32
    %dma_start3A_172 = tpu.memref_slice %arg2[%select_n3A, %add3A_167, %dma_start3A_171] : memref<16x512x512xi32, #tpu.memory_space<hbm>> -> memref<1x32x512xi32, #tpu.memory_space<hbm>>
    %dma_start3A_173 = tpu.memref_squeeze %dma_start3A_172 : memref<1x32x512xi32, #tpu.memory_space<hbm>> -> memref<32x512xi32, #tpu.memory_space<hbm>>
    tpu.enqueue_dma source(%dma_start3A_173 : memref<32x512xi32, #tpu.memory_space<hbm>>) target(%arg6 : memref<32x512xi32, #tpu.memory_space<vmem>>) target_semaphore(%arg11 : memref<!tpu.dma_semaphore, #tpu.memory_space<semaphore_mem>>)
    %dma_start3A_174 = arith.constant 0 : i32
    %dma_start3A_175 = tpu.memref_slice %arg3[%select_n3A, %add3A_167, %dma_start3A_174] : memref<16x512x512xi32, #tpu.memory_space<hbm>> -> memref<1x32x512xi32, #tpu.memory_space<hbm>>
    %dma_start3A_176 = tpu.memref_squeeze %dma_start3A_175 : memref<1x32x512xi32, #tpu.memory_space<hbm>> -> memref<32x512xi32, #tpu.memory_space<hbm>>
    %dma_start3A_177 = arith.constant 0 : i32
    %dma_start3A_178 = tpu.memref_slice %arg3[%select_n3A, %add3A_167, %dma_start3A_177] : memref<16x512x512xi32, #tpu.memory_space<hbm>> -> memref<1x32x512xi32, #tpu.memory_space<hbm>>
    %dma_start3A_179 = tpu.memref_squeeze %dma_start3A_178 : memref<1x32x512xi32, #tpu.memory_space<hbm>> -> memref<32x512xi32, #tpu.memory_space<hbm>>
    tpu.enqueue_dma source(%dma_start3A_179 : memref<32x512xi32, #tpu.memory_space<hbm>>) target(%arg8 : memref<32x512xi32, #tpu.memory_space<vmem>>) target_semaphore(%arg13 : memref<!tpu.dma_semaphore, #tpu.memory_space<semaphore_mem>>)
    %dma_wait3A_180 = arith.constant 0 : i32
    %dma_wait3A_181 = tpu.memref_slice %arg2[%select_n3A, %add3A_138, %dma_wait3A_180] : memref<16x512x512xi32, #tpu.memory_space<hbm>> -> memref<1x32x512xi32, #tpu.memory_space<hbm>>
    %dma_wait3A_182 = tpu.memref_squeeze %dma_wait3A_181 : memref<1x32x512xi32, #tpu.memory_space<hbm>> -> memref<32x512xi32, #tpu.memory_space<hbm>>
    %dma_wait3A_183 = arith.constant 0 : i32
    %dma_wait3A_184 = tpu.memref_slice %arg2[%select_n3A, %add3A_138, %dma_wait3A_183] : memref<16x512x512xi32, #tpu.memory_space<hbm>> -> memref<1x32x512xi32, #tpu.memory_space<hbm>>
    %dma_wait3A_185 = tpu.memref_squeeze %dma_wait3A_184 : memref<1x32x512xi32, #tpu.memory_space<hbm>> -> memref<32x512xi32, #tpu.memory_space<hbm>>
    tpu.wait_dma2 semaphore(%arg10 : memref<!tpu.dma_semaphore, #tpu.memory_space<semaphore_mem>>) src(%dma_wait3A_185 : memref<32x512xi32, #tpu.memory_space<hbm>>) dst(%arg5 : memref<32x512xi32, #tpu.memory_space<vmem>>)
    %dma_wait3A_186 = arith.constant 0 : i32
    %dma_wait3A_187 = tpu.memref_slice %arg3[%select_n3A, %add3A_138, %dma_wait3A_186] : memref<16x512x512xi32, #tpu.memory_space<hbm>> -> memref<1x32x512xi32, #tpu.memory_space<hbm>>
    %dma_wait3A_188 = tpu.memref_squeeze %dma_wait3A_187 : memref<1x32x512xi32, #tpu.memory_space<hbm>> -> memref<32x512xi32, #tpu.memory_space<hbm>>
    %dma_wait3A_189 = arith.constant 0 : i32
    %dma_wait3A_190 = tpu.memref_slice %arg3[%select_n3A, %add3A_138, %dma_wait3A_189] : memref<16x512x512xi32, #tpu.memory_space<hbm>> -> memref<1x32x512xi32, #tpu.memory_space<hbm>>
    %dma_wait3A_191 = tpu.memref_squeeze %dma_wait3A_190 : memref<1x32x512xi32, #tpu.memory_space<hbm>> -> memref<32x512xi32, #tpu.memory_space<hbm>>
    tpu.wait_dma2 semaphore(%arg12 : memref<!tpu.dma_semaphore, #tpu.memory_space<semaphore_mem>>) src(%dma_wait3A_191 : memref<32x512xi32, #tpu.memory_space<hbm>>) dst(%arg7 : memref<32x512xi32, #tpu.memory_space<vmem>>)
    %parallel_loop3A_192 = arith.constant 0 : i32
    %parallel_loop3A_193 = arith.constant 16384 : i32
    %parallel_loop3A_194 = arith.constant 16 : i32
    scf.for %parallel_loop3A_268 = %parallel_loop3A_192 to %parallel_loop3A_193 step %parallel_loop3A_194  : i32 {
      %parallel_loop3A_269 = arith.constant 9 : i32
      %parallel_loop3A_270 = arith.shrsi %parallel_loop3A_268, %parallel_loop3A_269 : i32
      %parallel_loop3A_271 = arith.constant 511 : i32
      %parallel_loop3A_272 = arith.andi %parallel_loop3A_268, %parallel_loop3A_271 : i32
      %parallel_loop3A_273 = arith.index_cast %parallel_loop3A_270 : i32 to index
      %parallel_loop3A_274 = arith.index_cast %parallel_loop3A_272 : i32 to index
      %parallel_loop3A_275 = tpu.vector_load %arg5[%parallel_loop3A_273, %parallel_loop3A_274] {strides = array<i32>} : memref<32x512xi32, #tpu.memory_space<vmem>>, vector<16xi32>,
      %parallel_loop3A_276 = arith.index_cast %parallel_loop3A_270 : i32 to index
      %parallel_loop3A_277 = arith.index_cast %parallel_loop3A_272 : i32 to index
      %parallel_loop3A_278 = tpu.vector_load %arg7[%parallel_loop3A_276, %parallel_loop3A_277] {strides = array<i32>} : memref<32x512xi32, #tpu.memory_space<vmem>>, vector<16xi32>,
      %parallel_loop3A_279 = arith.constant 150 : i32
      %parallel_loop3A_280 = vector.broadcast %parallel_loop3A_279 : i32 to vector<16xi32>
      %parallel_loop3A_281 = arith.muli %parallel_loop3A_275, %parallel_loop3A_280 : vector<16xi32>
      %parallel_loop3A_282 = arith.addi %parallel_loop3A_281, %parallel_loop3A_278 : vector<16xi32>
      %parallel_loop3A_283 = arith.constant 7 : i32
      %parallel_loop3A_284 = vector.broadcast %parallel_loop3A_283 : i32 to vector<16xi32>
      %parallel_loop3A_285 = arith.shrsi %parallel_loop3A_282, %parallel_loop3A_284 : vector<16xi32>
      %parallel_loop3A_286 = arith.constant 127 : i32
      %parallel_loop3A_287 = vector.broadcast %parallel_loop3A_286 : i32 to vector<16xi32>
      %parallel_loop3A_288 = arith.andi %parallel_loop3A_282, %parallel_loop3A_287 : vector<16xi32>
      tpu.vector_store_idx %arg9[%parallel_loop3A_285, %parallel_loop3A_288], %broadcast_in_dim3A_50 {add = true} : memref<176x128xf32, #tpu.memory_space<vmem>>[vector<16xi32>, vector<16xi32>], vector<16xf32>,
    } {sc.loop_unroll_factor = 8 : i64, sc.parallel_access}
    %add3A_195 = arith.constant 192 : i32
    %add3A_196 = arith.addi %mul3A_32, %add3A_195 : i32
    %dma_start3A_197 = arith.constant 0 : i32
    %dma_start3A_198 = tpu.memref_slice %arg2[%select_n3A, %add3A_196, %dma_start3A_197] : memref<16x512x512xi32, #tpu.memory_space<hbm>> -> memref<1x32x512xi32, #tpu.memory_space<hbm>>
    %dma_start3A_199 = tpu.memref_squeeze %dma_start3A_198 : memref<1x32x512xi32, #tpu.memory_space<hbm>> -> memref<32x512xi32, #tpu.memory_space<hbm>>
    %dma_start3A_200 = arith.constant 0 : i32
    %dma_start3A_201 = tpu.memref_slice %arg2[%select_n3A, %add3A_196, %dma_start3A_200] : memref<16x512x512xi32, #tpu.memory_space<hbm>> -> memref<1x32x512xi32, #tpu.memory_space<hbm>>
    %dma_start3A_202 = tpu.memref_squeeze %dma_start3A_201 : memref<1x32x512xi32, #tpu.memory_space<hbm>> -> memref<32x512xi32, #tpu.memory_space<hbm>>
    tpu.enqueue_dma source(%dma_start3A_202 : memref<32x512xi32, #tpu.memory_space<hbm>>) target(%arg5 : memref<32x512xi32, #tpu.memory_space<vmem>>) target_semaphore(%arg10 : memref<!tpu.dma_semaphore, #tpu.memory_space<semaphore_mem>>)
    %dma_start3A_203 = arith.constant 0 : i32
    %dma_start3A_204 = tpu.memref_slice %arg3[%select_n3A, %add3A_196, %dma_start3A_203] : memref<16x512x512xi32, #tpu.memory_space<hbm>> -> memref<1x32x512xi32, #tpu.memory_space<hbm>>
    %dma_start3A_205 = tpu.memref_squeeze %dma_start3A_204 : memref<1x32x512xi32, #tpu.memory_space<hbm>> -> memref<32x512xi32, #tpu.memory_space<hbm>>
    %dma_start3A_206 = arith.constant 0 : i32
    %dma_start3A_207 = tpu.memref_slice %arg3[%select_n3A, %add3A_196, %dma_start3A_206] : memref<16x512x512xi32, #tpu.memory_space<hbm>> -> memref<1x32x512xi32, #tpu.memory_space<hbm>>
    %dma_start3A_208 = tpu.memref_squeeze %dma_start3A_207 : memref<1x32x512xi32, #tpu.memory_space<hbm>> -> memref<32x512xi32, #tpu.memory_space<hbm>>
    tpu.enqueue_dma source(%dma_start3A_208 : memref<32x512xi32, #tpu.memory_space<hbm>>) target(%arg7 : memref<32x512xi32, #tpu.memory_space<vmem>>) target_semaphore(%arg12 : memref<!tpu.dma_semaphore, #tpu.memory_space<semaphore_mem>>)
    %dma_wait3A_209 = arith.constant 0 : i32
    %dma_wait3A_210 = tpu.memref_slice %arg2[%select_n3A, %add3A_167, %dma_wait3A_209] : memref<16x512x512xi32, #tpu.memory_space<hbm>> -> memref<1x32x512xi32, #tpu.memory_space<hbm>>
    %dma_wait3A_211 = tpu.memref_squeeze %dma_wait3A_210 : memref<1x32x512xi32, #tpu.memory_space<hbm>> -> memref<32x512xi32, #tpu.memory_space<hbm>>
    %dma_wait3A_212 = arith.constant 0 : i32
    %dma_wait3A_213 = tpu.memref_slice %arg2[%select_n3A, %add3A_167, %dma_wait3A_212] : memref<16x512x512xi32, #tpu.memory_space<hbm>> -> memref<1x32x512xi32, #tpu.memory_space<hbm>>
    %dma_wait3A_214 = tpu.memref_squeeze %dma_wait3A_213 : memref<1x32x512xi32, #tpu.memory_space<hbm>> -> memref<32x512xi32, #tpu.memory_space<hbm>>
    tpu.wait_dma2 semaphore(%arg11 : memref<!tpu.dma_semaphore, #tpu.memory_space<semaphore_mem>>) src(%dma_wait3A_214 : memref<32x512xi32, #tpu.memory_space<hbm>>) dst(%arg6 : memref<32x512xi32, #tpu.memory_space<vmem>>)
    %dma_wait3A_215 = arith.constant 0 : i32
    %dma_wait3A_216 = tpu.memref_slice %arg3[%select_n3A, %add3A_167, %dma_wait3A_215] : memref<16x512x512xi32, #tpu.memory_space<hbm>> -> memref<1x32x512xi32, #tpu.memory_space<hbm>>
    %dma_wait3A_217 = tpu.memref_squeeze %dma_wait3A_216 : memref<1x32x512xi32, #tpu.memory_space<hbm>> -> memref<32x512xi32, #tpu.memory_space<hbm>>
    %dma_wait3A_218 = arith.constant 0 : i32
    %dma_wait3A_219 = tpu.memref_slice %arg3[%select_n3A, %add3A_167, %dma_wait3A_218] : memref<16x512x512xi32, #tpu.memory_space<hbm>> -> memref<1x32x512xi32, #tpu.memory_space<hbm>>
    %dma_wait3A_220 = tpu.memref_squeeze %dma_wait3A_219 : memref<1x32x512xi32, #tpu.memory_space<hbm>> -> memref<32x512xi32, #tpu.memory_space<hbm>>
    tpu.wait_dma2 semaphore(%arg13 : memref<!tpu.dma_semaphore, #tpu.memory_space<semaphore_mem>>) src(%dma_wait3A_220 : memref<32x512xi32, #tpu.memory_space<hbm>>) dst(%arg8 : memref<32x512xi32, #tpu.memory_space<vmem>>)
    %parallel_loop3A_221 = arith.constant 0 : i32
    %parallel_loop3A_222 = arith.constant 16384 : i32
    %parallel_loop3A_223 = arith.constant 16 : i32
    scf.for %parallel_loop3A_268 = %parallel_loop3A_221 to %parallel_loop3A_222 step %parallel_loop3A_223  : i32 {
      %parallel_loop3A_269 = arith.constant 9 : i32
      %parallel_loop3A_270 = arith.shrsi %parallel_loop3A_268, %parallel_loop3A_269 : i32
      %parallel_loop3A_271 = arith.constant 511 : i32
      %parallel_loop3A_272 = arith.andi %parallel_loop3A_268, %parallel_loop3A_271 : i32
      %parallel_loop3A_273 = arith.index_cast %parallel_loop3A_270 : i32 to index
      %parallel_loop3A_274 = arith.index_cast %parallel_loop3A_272 : i32 to index
      %parallel_loop3A_275 = tpu.vector_load %arg6[%parallel_loop3A_273, %parallel_loop3A_274] {strides = array<i32>} : memref<32x512xi32, #tpu.memory_space<vmem>>, vector<16xi32>,
      %parallel_loop3A_276 = arith.index_cast %parallel_loop3A_270 : i32 to index
      %parallel_loop3A_277 = arith.index_cast %parallel_loop3A_272 : i32 to index
      %parallel_loop3A_278 = tpu.vector_load %arg8[%parallel_loop3A_276, %parallel_loop3A_277] {strides = array<i32>} : memref<32x512xi32, #tpu.memory_space<vmem>>, vector<16xi32>,
      %parallel_loop3A_279 = arith.constant 150 : i32
      %parallel_loop3A_280 = vector.broadcast %parallel_loop3A_279 : i32 to vector<16xi32>
      %parallel_loop3A_281 = arith.muli %parallel_loop3A_275, %parallel_loop3A_280 : vector<16xi32>
      %parallel_loop3A_282 = arith.addi %parallel_loop3A_281, %parallel_loop3A_278 : vector<16xi32>
      %parallel_loop3A_283 = arith.constant 7 : i32
      %parallel_loop3A_284 = vector.broadcast %parallel_loop3A_283 : i32 to vector<16xi32>
      %parallel_loop3A_285 = arith.shrsi %parallel_loop3A_282, %parallel_loop3A_284 : vector<16xi32>
      %parallel_loop3A_286 = arith.constant 127 : i32
      %parallel_loop3A_287 = vector.broadcast %parallel_loop3A_286 : i32 to vector<16xi32>
      %parallel_loop3A_288 = arith.andi %parallel_loop3A_282, %parallel_loop3A_287 : vector<16xi32>
      tpu.vector_store_idx %arg9[%parallel_loop3A_285, %parallel_loop3A_288], %broadcast_in_dim3A_50 {add = true} : memref<176x128xf32, #tpu.memory_space<vmem>>[vector<16xi32>, vector<16xi32>], vector<16xf32>,
    } {sc.loop_unroll_factor = 8 : i64, sc.parallel_access}
    %add3A_224 = arith.constant 224 : i32
    %add3A_225 = arith.addi %mul3A_32, %add3A_224 : i32
    %dma_start3A_226 = arith.constant 0 : i32
    %dma_start3A_227 = tpu.memref_slice %arg2[%select_n3A, %add3A_225, %dma_start3A_226] : memref<16x512x512xi32, #tpu.memory_space<hbm>> -> memref<1x32x512xi32, #tpu.memory_space<hbm>>
    %dma_start3A_228 = tpu.memref_squeeze %dma_start3A_227 : memref<1x32x512xi32, #tpu.memory_space<hbm>> -> memref<32x512xi32, #tpu.memory_space<hbm>>
    %dma_start3A_229 = arith.constant 0 : i32
    %dma_start3A_230 = tpu.memref_slice %arg2[%select_n3A, %add3A_225, %dma_start3A_229] : memref<16x512x512xi32, #tpu.memory_space<hbm>> -> memref<1x32x512xi32, #tpu.memory_space<hbm>>
    %dma_start3A_231 = tpu.memref_squeeze %dma_start3A_230 : memref<1x32x512xi32, #tpu.memory_space<hbm>> -> memref<32x512xi32, #tpu.memory_space<hbm>>
    tpu.enqueue_dma source(%dma_start3A_231 : memref<32x512xi32, #tpu.memory_space<hbm>>) target(%arg6 : memref<32x512xi32, #tpu.memory_space<vmem>>) target_semaphore(%arg11 : memref<!tpu.dma_semaphore, #tpu.memory_space<semaphore_mem>>)
    %dma_start3A_232 = arith.constant 0 : i32
    %dma_start3A_233 = tpu.memref_slice %arg3[%select_n3A, %add3A_225, %dma_start3A_232] : memref<16x512x512xi32, #tpu.memory_space<hbm>> -> memref<1x32x512xi32, #tpu.memory_space<hbm>>
    %dma_start3A_234 = tpu.memref_squeeze %dma_start3A_233 : memref<1x32x512xi32, #tpu.memory_space<hbm>> -> memref<32x512xi32, #tpu.memory_space<hbm>>
    %dma_start3A_235 = arith.constant 0 : i32
    %dma_start3A_236 = tpu.memref_slice %arg3[%select_n3A, %add3A_225, %dma_start3A_235] : memref<16x512x512xi32, #tpu.memory_space<hbm>> -> memref<1x32x512xi32, #tpu.memory_space<hbm>>
    %dma_start3A_237 = tpu.memref_squeeze %dma_start3A_236 : memref<1x32x512xi32, #tpu.memory_space<hbm>> -> memref<32x512xi32, #tpu.memory_space<hbm>>
    tpu.enqueue_dma source(%dma_start3A_237 : memref<32x512xi32, #tpu.memory_space<hbm>>) target(%arg8 : memref<32x512xi32, #tpu.memory_space<vmem>>) target_semaphore(%arg13 : memref<!tpu.dma_semaphore, #tpu.memory_space<semaphore_mem>>)
    %dma_wait3A_238 = arith.constant 0 : i32
    %dma_wait3A_239 = tpu.memref_slice %arg2[%select_n3A, %add3A_196, %dma_wait3A_238] : memref<16x512x512xi32, #tpu.memory_space<hbm>> -> memref<1x32x512xi32, #tpu.memory_space<hbm>>
    %dma_wait3A_240 = tpu.memref_squeeze %dma_wait3A_239 : memref<1x32x512xi32, #tpu.memory_space<hbm>> -> memref<32x512xi32, #tpu.memory_space<hbm>>
    %dma_wait3A_241 = arith.constant 0 : i32
    %dma_wait3A_242 = tpu.memref_slice %arg2[%select_n3A, %add3A_196, %dma_wait3A_241] : memref<16x512x512xi32, #tpu.memory_space<hbm>> -> memref<1x32x512xi32, #tpu.memory_space<hbm>>
    %dma_wait3A_243 = tpu.memref_squeeze %dma_wait3A_242 : memref<1x32x512xi32, #tpu.memory_space<hbm>> -> memref<32x512xi32, #tpu.memory_space<hbm>>
    tpu.wait_dma2 semaphore(%arg10 : memref<!tpu.dma_semaphore, #tpu.memory_space<semaphore_mem>>) src(%dma_wait3A_243 : memref<32x512xi32, #tpu.memory_space<hbm>>) dst(%arg5 : memref<32x512xi32, #tpu.memory_space<vmem>>)
    %dma_wait3A_244 = arith.constant 0 : i32
    %dma_wait3A_245 = tpu.memref_slice %arg3[%select_n3A, %add3A_196, %dma_wait3A_244] : memref<16x512x512xi32, #tpu.memory_space<hbm>> -> memref<1x32x512xi32, #tpu.memory_space<hbm>>
    %dma_wait3A_246 = tpu.memref_squeeze %dma_wait3A_245 : memref<1x32x512xi32, #tpu.memory_space<hbm>> -> memref<32x512xi32, #tpu.memory_space<hbm>>
    %dma_wait3A_247 = arith.constant 0 : i32
    %dma_wait3A_248 = tpu.memref_slice %arg3[%select_n3A, %add3A_196, %dma_wait3A_247] : memref<16x512x512xi32, #tpu.memory_space<hbm>> -> memref<1x32x512xi32, #tpu.memory_space<hbm>>
    %dma_wait3A_249 = tpu.memref_squeeze %dma_wait3A_248 : memref<1x32x512xi32, #tpu.memory_space<hbm>> -> memref<32x512xi32, #tpu.memory_space<hbm>>
    tpu.wait_dma2 semaphore(%arg12 : memref<!tpu.dma_semaphore, #tpu.memory_space<semaphore_mem>>) src(%dma_wait3A_249 : memref<32x512xi32, #tpu.memory_space<hbm>>) dst(%arg7 : memref<32x512xi32, #tpu.memory_space<vmem>>)
    %parallel_loop3A_250 = arith.constant 0 : i32
    %parallel_loop3A_251 = arith.constant 16384 : i32
    %parallel_loop3A_252 = arith.constant 16 : i32
    scf.for %parallel_loop3A_268 = %parallel_loop3A_250 to %parallel_loop3A_251 step %parallel_loop3A_252  : i32 {
      %parallel_loop3A_269 = arith.constant 9 : i32
      %parallel_loop3A_270 = arith.shrsi %parallel_loop3A_268, %parallel_loop3A_269 : i32
      %parallel_loop3A_271 = arith.constant 511 : i32
      %parallel_loop3A_272 = arith.andi %parallel_loop3A_268, %parallel_loop3A_271 : i32
      %parallel_loop3A_273 = arith.index_cast %parallel_loop3A_270 : i32 to index
      %parallel_loop3A_274 = arith.index_cast %parallel_loop3A_272 : i32 to index
      %parallel_loop3A_275 = tpu.vector_load %arg5[%parallel_loop3A_273, %parallel_loop3A_274] {strides = array<i32>} : memref<32x512xi32, #tpu.memory_space<vmem>>, vector<16xi32>,
      %parallel_loop3A_276 = arith.index_cast %parallel_loop3A_270 : i32 to index
      %parallel_loop3A_277 = arith.index_cast %parallel_loop3A_272 : i32 to index
      %parallel_loop3A_278 = tpu.vector_load %arg7[%parallel_loop3A_276, %parallel_loop3A_277] {strides = array<i32>} : memref<32x512xi32, #tpu.memory_space<vmem>>, vector<16xi32>,
      %parallel_loop3A_279 = arith.constant 150 : i32
      %parallel_loop3A_280 = vector.broadcast %parallel_loop3A_279 : i32 to vector<16xi32>
      %parallel_loop3A_281 = arith.muli %parallel_loop3A_275, %parallel_loop3A_280 : vector<16xi32>
      %parallel_loop3A_282 = arith.addi %parallel_loop3A_281, %parallel_loop3A_278 : vector<16xi32>
      %parallel_loop3A_283 = arith.constant 7 : i32
      %parallel_loop3A_284 = vector.broadcast %parallel_loop3A_283 : i32 to vector<16xi32>
      %parallel_loop3A_285 = arith.shrsi %parallel_loop3A_282, %parallel_loop3A_284 : vector<16xi32>
      %parallel_loop3A_286 = arith.constant 127 : i32
      %parallel_loop3A_287 = vector.broadcast %parallel_loop3A_286 : i32 to vector<16xi32>
      %parallel_loop3A_288 = arith.andi %parallel_loop3A_282, %parallel_loop3A_287 : vector<16xi32>
      tpu.vector_store_idx %arg9[%parallel_loop3A_285, %parallel_loop3A_288], %broadcast_in_dim3A_50 {add = true} : memref<176x128xf32, #tpu.memory_space<vmem>>[vector<16xi32>, vector<16xi32>], vector<16xf32>,
    } {sc.loop_unroll_factor = 8 : i64, sc.parallel_access}
    %dma_wait3A_253 = arith.constant 0 : i32
    %dma_wait3A_254 = tpu.memref_slice %arg2[%select_n3A, %add3A_225, %dma_wait3A_253] : memref<16x512x512xi32, #tpu.memory_space<hbm>> -> memref<1x32x512xi32, #tpu.memory_space<hbm>>
    %dma_wait3A_255 = tpu.memref_squeeze %dma_wait3A_254 : memref<1x32x512xi32, #tpu.memory_space<hbm>> -> memref<32x512xi32, #tpu.memory_space<hbm>>
    %dma_wait3A_256 = arith.constant 0 : i32
    %dma_wait3A_257 = tpu.memref_slice %arg2[%select_n3A, %add3A_225, %dma_wait3A_256] : memref<16x512x512xi32, #tpu.memory_space<hbm>> -> memref<1x32x512xi32, #tpu.memory_space<hbm>>
    %dma_wait3A_258 = tpu.memref_squeeze %dma_wait3A_257 : memref<1x32x512xi32, #tpu.memory_space<hbm>> -> memref<32x512xi32, #tpu.memory_space<hbm>>
    tpu.wait_dma2 semaphore(%arg11 : memref<!tpu.dma_semaphore, #tpu.memory_space<semaphore_mem>>) src(%dma_wait3A_258 : memref<32x512xi32, #tpu.memory_space<hbm>>) dst(%arg6 : memref<32x512xi32, #tpu.memory_space<vmem>>)
    %dma_wait3A_259 = arith.constant 0 : i32
    %dma_wait3A_260 = tpu.memref_slice %arg3[%select_n3A, %add3A_225, %dma_wait3A_259] : memref<16x512x512xi32, #tpu.memory_space<hbm>> -> memref<1x32x512xi32, #tpu.memory_space<hbm>>
    %dma_wait3A_261 = tpu.memref_squeeze %dma_wait3A_260 : memref<1x32x512xi32, #tpu.memory_space<hbm>> -> memref<32x512xi32, #tpu.memory_space<hbm>>
    %dma_wait3A_262 = arith.constant 0 : i32
    %dma_wait3A_263 = tpu.memref_slice %arg3[%select_n3A, %add3A_225, %dma_wait3A_262] : memref<16x512x512xi32, #tpu.memory_space<hbm>> -> memref<1x32x512xi32, #tpu.memory_space<hbm>>
    %dma_wait3A_264 = tpu.memref_squeeze %dma_wait3A_263 : memref<1x32x512xi32, #tpu.memory_space<hbm>> -> memref<32x512xi32, #tpu.memory_space<hbm>>
    tpu.wait_dma2 semaphore(%arg13 : memref<!tpu.dma_semaphore, #tpu.memory_space<semaphore_mem>>) src(%dma_wait3A_264 : memref<32x512xi32, #tpu.memory_space<hbm>>) dst(%arg8 : memref<32x512xi32, #tpu.memory_space<vmem>>)
    %parallel_loop3A_265 = arith.constant 0 : i32
    %parallel_loop3A_266 = arith.constant 16384 : i32
    %parallel_loop3A_267 = arith.constant 16 : i32
    scf.for %parallel_loop3A_268 = %parallel_loop3A_265 to %parallel_loop3A_266 step %parallel_loop3A_267  : i32 {
      %parallel_loop3A_269 = arith.constant 9 : i32
      %parallel_loop3A_270 = arith.shrsi %parallel_loop3A_268, %parallel_loop3A_269 : i32
      %parallel_loop3A_271 = arith.constant 511 : i32
      %parallel_loop3A_272 = arith.andi %parallel_loop3A_268, %parallel_loop3A_271 : i32
      %parallel_loop3A_273 = arith.index_cast %parallel_loop3A_270 : i32 to index
      %parallel_loop3A_274 = arith.index_cast %parallel_loop3A_272 : i32 to index
      %parallel_loop3A_275 = tpu.vector_load %arg6[%parallel_loop3A_273, %parallel_loop3A_274] {strides = array<i32>} : memref<32x512xi32, #tpu.memory_space<vmem>>, vector<16xi32>,
      %parallel_loop3A_276 = arith.index_cast %parallel_loop3A_270 : i32 to index
      %parallel_loop3A_277 = arith.index_cast %parallel_loop3A_272 : i32 to index
      %parallel_loop3A_278 = tpu.vector_load %arg8[%parallel_loop3A_276, %parallel_loop3A_277] {strides = array<i32>} : memref<32x512xi32, #tpu.memory_space<vmem>>, vector<16xi32>,
      %parallel_loop3A_279 = arith.constant 150 : i32
      %parallel_loop3A_280 = vector.broadcast %parallel_loop3A_279 : i32 to vector<16xi32>
      %parallel_loop3A_281 = arith.muli %parallel_loop3A_275, %parallel_loop3A_280 : vector<16xi32>
      %parallel_loop3A_282 = arith.addi %parallel_loop3A_281, %parallel_loop3A_278 : vector<16xi32>
      %parallel_loop3A_283 = arith.constant 7 : i32
      %parallel_loop3A_284 = vector.broadcast %parallel_loop3A_283 : i32 to vector<16xi32>
      %parallel_loop3A_285 = arith.shrsi %parallel_loop3A_282, %parallel_loop3A_284 : vector<16xi32>
      %parallel_loop3A_286 = arith.constant 127 : i32
      %parallel_loop3A_287 = vector.broadcast %parallel_loop3A_286 : i32 to vector<16xi32>
      %parallel_loop3A_288 = arith.andi %parallel_loop3A_282, %parallel_loop3A_287 : vector<16xi32>
      tpu.vector_store_idx %arg9[%parallel_loop3A_285, %parallel_loop3A_288], %broadcast_in_dim3A_50 {add = true} : memref<176x128xf32, #tpu.memory_space<vmem>>[vector<16xi32>, vector<16xi32>], vector<16xf32>,
    } {sc.loop_unroll_factor = 8 : i64, sc.parallel_access}
    "tpu.region"() ({
      %run_scoped3A = tpu.sem_alloc : memref<!tpu.dma_semaphore, #tpu.memory_space<semaphore_mem>>
      %dma_start3A_268 = arith.constant 0 : i32
      %dma_start3A_269 = arith.constant 0 : i32
      %dma_start3A_270 = tpu.memref_slice %arg4[%add3A, %dma_start3A_268, %dma_start3A_269] : memref<32x176x128xf32, #tpu.memory_space<hbm>> -> memref<1x176x128xf32, #tpu.memory_space<hbm>>
      %dma_start3A_271 = tpu.memref_squeeze %dma_start3A_270 : memref<1x176x128xf32, #tpu.memory_space<hbm>> -> memref<176x128xf32, #tpu.memory_space<hbm>>
      %dma_start3A_272 = arith.constant 0 : i32
      %dma_start3A_273 = arith.constant 0 : i32
      %dma_start3A_274 = tpu.memref_slice %arg4[%add3A, %dma_start3A_272, %dma_start3A_273] : memref<32x176x128xf32, #tpu.memory_space<hbm>> -> memref<1x176x128xf32, #tpu.memory_space<hbm>>
      %dma_start3A_275 = tpu.memref_squeeze %dma_start3A_274 : memref<1x176x128xf32, #tpu.memory_space<hbm>> -> memref<176x128xf32, #tpu.memory_space<hbm>>
      tpu.enqueue_dma source(%arg9 : memref<176x128xf32, #tpu.memory_space<vmem>>) target(%dma_start3A_275 : memref<176x128xf32, #tpu.memory_space<hbm>>) target_semaphore(%run_scoped3A : memref<!tpu.dma_semaphore, #tpu.memory_space<semaphore_mem>>)
      %dma_wait3A_276 = arith.constant 0 : i32
      %dma_wait3A_277 = arith.constant 0 : i32
      %dma_wait3A_278 = tpu.memref_slice %arg4[%add3A, %dma_wait3A_276, %dma_wait3A_277] : memref<32x176x128xf32, #tpu.memory_space<hbm>> -> memref<1x176x128xf32, #tpu.memory_space<hbm>>
      %dma_wait3A_279 = tpu.memref_squeeze %dma_wait3A_278 : memref<1x176x128xf32, #tpu.memory_space<hbm>> -> memref<176x128xf32, #tpu.memory_space<hbm>>
      %dma_wait3A_280 = arith.constant 0 : i32
      %dma_wait3A_281 = arith.constant 0 : i32
      %dma_wait3A_282 = tpu.memref_slice %arg4[%add3A, %dma_wait3A_280, %dma_wait3A_281] : memref<32x176x128xf32, #tpu.memory_space<hbm>> -> memref<1x176x128xf32, #tpu.memory_space<hbm>>
      %dma_wait3A_283 = tpu.memref_squeeze %dma_wait3A_282 : memref<1x176x128xf32, #tpu.memory_space<hbm>> -> memref<176x128xf32, #tpu.memory_space<hbm>>
      tpu.wait_dma2 semaphore(%run_scoped3A : memref<!tpu.dma_semaphore, #tpu.memory_space<semaphore_mem>>) src(%arg9 : memref<176x128xf32, #tpu.memory_space<vmem>>) dst(%dma_wait3A_283 : memref<176x128xf32, #tpu.memory_space<hbm>>)
      tpu.yield
    }) : () -> ()
    return
  }
}

</mosaic_0001>

<sc_bundles>
// kernel: _sc_hist.3.cloned.1.call-start
scs
__scs_entry_jumppad:
0x0: {  	(pc) =	sbr.rel $0x88, $3  }
0x1: {  	(tag) =	ssettag $0x0;
	lr =	simm.s32 $0x1  }
0x2: {  	[smem:$0x3F9F] =	sst lr;
	_ =	strace $0xD0000000  }
0x3: {  	_ = 	snop  }
0x4: {  	_ = 	snop  }
0x5: {  	_ = 	snop  }
0x6: {  	_ = 	snop  }
0x7: {  	_ = 	snop  }
__scs_overlays_trampoline_lowered:
0x8: {  	[smem:$0x3FAE] =	sst s0  }
0x9: {  	[smem:$0x3FAF] =	sst s1  }
0xa: {  	[smem:$0x3FB0] =	sst s2  }
0xb: {  	[smem:$0x3FB1] =	sst s3  }
0xc: {  	[smem:$0x3FB2] =	sst s4  }
0xd: {  	[smem:$0x3FB3] =	sst s5  }
0xe: {  	[smem:$0x3FB4] =	sst s6  }
0xf: {  	[smem:$0x3FB5] =	sst s7  }
0x10: {  	[smem:$0x3FB6] =	sst s8  }
0x11: {  	[smem:$0x3FB7] =	sst s9;
	s0 =	simm.s32 @!p0 $0x0  }
0x12: {  	s1 =	sld [smem:$0x3F9D];
	s0 =	simm.s32 @p0 $0x1  }
0x13: {  	[smem:$0x3FB8] =	sst s0;
	s0 =	simm.s32 @!p1 $0x0  }
0x14: {  	s2 =	sld [smem:$0x3F9C];
	s0 =	simm.s32 @p1 $0x1  }
0x15: {  	[smem:$0x3FB9] =	sst s0;
	s0 =	simm.s32 @!p2 $0x0  }
0x16: {  	s3 =	sld [smem:$0x3FDB];
	s0 =	simm.s32 @p2 $0x1  }
0x17: {  	s4 =	simm.s32 $0x1BF5;
	[smem:$0x3FBB] =	sst s0  }
0x18: {  	s0 =	sld [smem:$0x3F9E];
	_ =	swait.ge [sflag:s4], $0x0  }
0x19: {  	s7 =	sld [smem:$0x3F9F]  }
0x1a: {  	s8 =	sadd.s32 $0xFFFFE003, lr  }
0x1b: {  	s9 =	sadd.s32 $0xFFFFFEF7, lr;
	s5 =	simm.s32 $0xFFFFFFFF;
	p2 =	slt.u32 s8, $0xFFFFF086  }
0x1c: {  	p1 =	slt.u32 s9, $0xF7A;
	s5 =	simm.s32 @!p2 $0x0  }
0x1d: {  	s5 =	simm.s32 @p1 $0x1;
	p0 =	seq.s32 s7, s2  }
0x1e: {  	s7 =	smul.u32 @!p0 $0xF7A, s2;
	p2 =	seq.s32 @!p0 s5, $0x0  }
0x1f: {  	s9 =	smul.u32 $0xF7A, s1;
	s8 =	simm.s32 @!p0 $0x1BF5;
	p2 =	por !p2, p0  }
0x20: {  	[sflag:s8] =	ssyncset.s32 @!p0 $0xFFFFF086;
	s6 =	sadd.s32 @!p0 s3, s7;
	s7 =	simm.s32 @!p0 $0x108  }
0x21: {  	s3 =	sadd.s32 s3, s9;
	s6 =	sadd.s32 @!p0 $0x88, s6;
	s7 =	simm.s32 @p2 $0x1082  }
0x22: {  	[simem:s7], [sflag:s8] =	dma.local @!p0 [hbm:s6], $0xF7A  }
0x23: {  	s9 =	sor.u32 $0xD0000000, s2;
	s6 =	simm.s32 $0x108;
	_ =	swait.ge @!p0 [sflag:s8], $0x0  }
0x24: {  	s3 =	sadd.s32 $0x88, s3;
	s6 =	simm.s32 @!p1 $0x1082;
	[sflag:s4] =	ssyncset.s32 $0xFFFFF086  }
0x25: {  	[simem:s6], [sflag:s4] =	dma.local [hbm:s3], $0xF7A  }
0x26: {  	[smem:$0x3F9F] =	sst s1;
	(tag) =	ssettag s2;
	_ =	strace s9  }
0x27: {  	s1 =	sld [smem:$0x3FAF]  }
0x28: {  	s2 =	sld [smem:$0x3FB0]  }
0x29: {  	s4 =	sld [smem:$0x3FB2]  }
0x2a: {  	p0 =	seq.s32 s5, $0x0;
	s5 =	sld [smem:$0x3FB3]  }
0x2b: {  	s6 =	sld [smem:$0x3FB4]  }
0x2c: {  	s7 =	sld [smem:$0x3FB5]  }
0x2d: {  	s3 =	simm.s32 $0x108;
	s8 =	sld [smem:$0x3FB6]  }
0x2e: {  	s3 =	simm.s32 @!p0 $0x1082;
	s9 =	sld [smem:$0x3FB7]  }
0x2f: {  	lr =	sadd.s32 s0, s3;
	s0 =	sld [smem:$0x3FAE]  }
0x30: {  	s3 =	sld [smem:$0x3FB1]  }
0x31: {  	[smem:$0x3FBA] =	sst s10  }
0x32: {  	s10 =	sld [smem:$0x3FB8];
	_ =	sdelay $0x3  }
0x33: {  	p0 =	seq.s32 s10, $0x1;
	s10 =	sld [smem:$0x3FBA];
	_ =	sdelay $0x3  }
0x34: {  	[smem:$0x3FBA] =	sst s10  }
0x35: {  	s10 =	sld [smem:$0x3FB9];
	_ =	sdelay $0x3  }
0x36: {  	p1 =	seq.s32 s10, $0x1;
	s10 =	sld [smem:$0x3FBA];
	_ =	sdelay $0x3  }
0x37: {  	[smem:$0x3FBA] =	sst s10  }
0x38: {  	s10 =	sld [smem:$0x3FBB]  }
0x39: {  	_ = 	snop;
	(pc) =	sbr.ind lr, $3  }
0x3a: {  	_ = 	snop  }
0x3b: {  	_ = 	snop  }
0x3c: {  	p2 =	seq.s32 s10, $0x1;
	s10 =	sld [smem:$0x3FBA]  }
0x3d: {  	_ =	shalt  }
0x3e: {  	_ =	shalt  }
0x3f: {  	_ =	shalt  }
0x40: {  	_ =	shalt  }
0x41: {  	_ =	shalt  }
0x42: {  	_ =	shalt  }
0x43: {  	_ =	shalt  }
0x44: {  	_ =	shalt  }
0x45: {  	_ =	shalt  }
0x46: {  	_ =	shalt  }
0x47: {  	_ =	shalt  }
0x48: {  	_ =	shalt  }
0x49: {  	_ =	shalt  }
0x4a: {  	_ =	shalt  }
0x4b: {  	_ =	shalt  }
0x4c: {  	_ =	shalt  }
0x4d: {  	_ =	shalt  }
0x4e: {  	_ =	shalt  }
0x4f: {  	_ =	shalt  }
0x50: {  	_ =	shalt  }
0x51: {  	_ =	shalt  }
0x52: {  	_ =	shalt  }
0x53: {  	_ =	shalt  }
0x54: {  	_ =	shalt  }
0x55: {  	_ =	shalt  }
0x56: {  	_ =	shalt  }
0x57: {  	_ =	shalt  }
0x58: {  	_ =	shalt  }
0x59: {  	_ =	shalt  }
0x5a: {  	_ =	shalt  }
0x5b: {  	_ =	shalt  }
0x5c: {  	_ =	shalt  }
0x5d: {  	_ =	shalt  }
0x5e: {  	_ =	shalt  }
0x5f: {  	_ =	shalt  }
0x60: {  	_ =	shalt  }
0x61: {  	_ =	shalt  }
0x62: {  	_ =	shalt  }
0x63: {  	_ =	shalt  }
0x64: {  	_ =	shalt  }
0x65: {  	_ =	shalt  }
0x66: {  	_ =	shalt  }
0x67: {  	_ =	shalt  }
0x68: {  	_ =	shalt  }
0x69: {  	_ =	shalt  }
0x6a: {  	_ =	shalt  }
0x6b: {  	_ =	shalt  }
0x6c: {  	_ =	shalt  }
0x6d: {  	_ =	shalt  }
0x6e: {  	_ =	shalt  }
0x6f: {  	_ =	shalt  }
0x70: {  	_ =	shalt  }
0x71: {  	_ =	shalt  }
0x72: {  	_ =	shalt  }
0x73: {  	_ =	shalt  }
0x74: {  	_ =	shalt  }
0x75: {  	_ =	shalt  }
0x76: {  	_ =	shalt  }
0x77: {  	_ =	shalt  }
0x78: {  	_ =	shalt  }
0x79: {  	_ =	shalt  }
0x7a: {  	_ =	shalt  }
0x7b: {  	_ =	shalt  }
0x7c: {  	_ =	shalt  }
0x7d: {  	_ =	shalt  }
0x7e: {  	_ =	shalt  }
0x7f: {  	_ =	shalt  }
0x80: {  	_ =	shalt  }
0x81: {  	_ =	shalt  }
0x82: {  	_ =	shalt  }
0x83: {  	_ =	shalt  }
0x84: {  	_ =	shalt  }
0x85: {  	_ =	shalt  }
0x86: {  	_ =	shalt  }
0x87: {  	_ =	shalt  }
.Lfunc_end0:
.L_simem_size_0:
called_computation_lowered:
.L_overlay_start_0:
0x88: {  	s2 =	sld [smem:$0x3FD9]  }
0x89: {  	s3 =	sld [smem:$0x3FFE];
	_ =	sdelay $0x1  }
0x8a: {  	s1 =	srdreg.scid  }
0x8b: {  	s0 =	sand.u32 $0x1, s1  }
0x8c: {  	s18 =	sshll.u32 s0, $0xA;
	s2 =	sadd.s32 s3, s2  }
0x8d: {  	s2 =	sadd.s32 s2, s18  }
0x8e: {  	[smem:$0x3FC6] =	sst s2  }
0x8f: {  	_ = 	snop  }
0x90: {  	s2 =	sld [smem:$0x3FC9]  }
0x91: {  	s19 =	sld [smem:$0x3FC8]  }
0x92: {  	s4 =	sld [smem:$0x3FD0];
	(tm) =	ssettm $0x1  }
0x93: {  	s5 =	sld [smem:$0x3FFB];
	_ =	sdelay $0x3  }
0x94: {  	_ =	strace s5  }
0x95: {  	s5 =	sld [smem:$0x3FFC];
	_ =	sdelay $0x3  }
0x96: {  	_ =	strace s5  }
0x97: {  	s5 =	sld [smem:$0x3FFD];
	_ =	sdelay $0x3  }
0x98: {  	_ =	strace s5  }
0x99: {  	_ =	strace $0x8FFFFFFF  }
0x9a: {  	s20 =	sld [smem:$0x3FDB];
	_ =	sdelay $0x1  }
0x9b: {  	s6 =	simm.s32 $_scs_section_size  }
0x9c: {  	s7 =	simm.s32 $_size__tile_overlayer_lowered;
	s8 =	simm.s32 $_tile_overlayer_lowered  }
0x9d: {  	s23 =	simm.s32 $0x1BFF;
	s22 =	sshll.u32 s8, $0x1;
	s5 =	sadd.s32 s6, s20  }
0x9e: {  	s9 =	simm.s32 $0x0;
	s21 =	sshll.u32 s7, $0x1;
	s7 =	sadd.s32 s22, s5  }
0x9f: {  	[timem:s9], [sflag:s23] =	dma.local [hbm:s7], s21  }
0xa0: {  	_ =	swait.ge [sflag:s23], s21  }
0xa1: {  	s6 =	ssub.s32 $0x0, s21;
	[sflag:s23] =	ssyncset.done $0x0  }
0xa2: {  	[sflag:s23] =	ssyncadd.s32 s6;
	_ =	sdelay $0x1  }
0xa3: {  	s24 =	simm.s32 $0x1B8B  }
0xa4: {  	_ =	swait.ge [sflag:s24], $0x1  }
0xa5: {  	[sflag:s24] =	ssyncset.done $0x0  }
0xa6: {  	s25 =	simm.s32 $0x1B8E;
	[sflag:s24] =	ssyncadd.s32 $0xFFFFFFFF  }
0xa7: {  	s26 =	simm.s32 $execute0_lowered;
	[smem:$0x3FD2] =	sst s25  }
0xa8: {  	s6 =	sshll.u32 s26, $0x1;
	_ =	strace $0x80000046;
	[dreg:$0x1] =	wrdreg $0xFFFFFFFF  }
0xa9: {  	s28 =	simm.s32 $_size_execute0_lowered;
	s5 =	sadd.s32 s5, s6;
	[dreg:$0x0] =	wrdreg $0x0  }
0xaa: {  	s6 =	sshll.u32 s28, $0x1;
	[dreg:$0x2] =	wrdreg s5  }
0xab: {  	[dreg:$0x3] =	wrdreg s6  }
0xac: {  	[dreg:$0x4] =	wrdreg $0xC0  }
0xad: {  	_ =	task [dreg:s9], $0x5FFFF  }
0xae: {  	[dreg:$0x1] =	wrdreg $0xFFFFFFFF  }
0xaf: {  	[dreg:$0x0] =	wrdreg $0x60  }
0xb0: {  	[dreg:$0x2] =	wrdreg s2  }
0xb1: {  	[dreg:$0x3] =	wrdreg s19  }
0xb2: {  	[dreg:$0x4] =	wrdreg s4  }
0xb3: {  	[dreg:$0x5] =	wrdreg $0x9  }
0xb4: {  	_ =	task.clear_ibuf [dreg:s9], $0x6FFFF;
	_ =	strace $0x90000046  }
0xb5: {  	s29 =	simm.s32 $0x9;
	_ =	strace $0x80000048  }
0xb6: {  	_ =	swait.ge [sflag:s29], $0x1  }
0xb7: {  	[sflag:s29] =	ssyncadd.s32 $0xFFFFFFFF  }
0xb8: {  	_ =	strace $0x90000048  }
0xb9: {  	_ =	sfence  }
0xba: {  	s30 =	sld [smem:$0x0];
	_ =	sdelay $0x2  }
0xbb: {  	s31 =	sshll.u32 s1, $0xD;
	s1 =	sshrl.u32 s1, $0x2  }
0xbc: {  	s3 =	sand.u32 $0x4000, s31;
	s1 =	sadd.s32 s1, s30  }
0xbd: {  	s0 =	sor.u32 s3, s0;
	s1 =	sshll.u32 s1, $0x11  }
0xbe: {  	s0 =	sor.u32 s1, s0  }
0xbf: {  	s0 =	sadd.s32 $0x8F2B, s0  }
0xc0: {  	[sflag:s0] =	ssyncadd.remote.s32 $0x1  }
0xc1: {  	_ =	sfence.sel $0xFFFF  }
0xc2: {  	[dreg:$0x0] =	wrdreg $0xFFFFFFFF;
	(pc) =	sbr.abs _section_cstart, $3  }
0xc3: {  	[dreg:$0x1] =	wrdreg $0xFFFFFFFF  }
0xc4: {  	_ =	task.clear_ibuf [dreg:s9], $0x2FFFF;
	_ =	strace $0x9FFFFFFF  }
0xc5: {  	(tm) =	ssettm $0x7FFFFFFF  }
tec
execute0_lowered:
.L_overlay_start_1:
0x0: {  	(tag) =	ssettag $0x1  }
0x1: {  	s0 =	srdreg.scid;
	s4 =	rddreg [dreg:$0x0]  }
0x2: {  	s6 =	stileid.u32;
	s19 =	rddreg [dreg:$0x1]  }
0x3: {  	s20 =	rddreg [dreg:$0x2];
	s3 =	simm.s32 $0x1;
	s0 =	sand.u32 $0x1, s0  }
0x4: {  	s28 =	simm.s32 $0x2;
	s29 =	simm.s32 $0x4;
	s1 =	sshll.u32 s0, $0x4  }
0x5: {  	s30 =	simm.s32 $0x5;
	s2 =	sand.u32 $0x1, s6;
	s1 =	sor.u32 s6, s1  }
0x6: {  	s31 =	simm.s32 $0x0;
	p1 =	seq.s32 s2, $0x1;
	p0 =	seq.s32 s1, $0x0  }
0x7: {  	s22 =	sshll.u32 s6, $0x11;
	s2 =	simm.s32 $0x0;
	p0 =	por !p0, !p1  }
0x8: {  	s0 =	ssub.s32 $0x2, s0;
	[smem:$0x7FF] =	sst s2;
	p0 =	por !p0, !p0  }
0x9: {  	s23 =	sshrl.u32 s0, $0x1;
	s5 =	sshrl.u32 s1, $0x1;
	s3 =	simm.s32 @!p0 $0x0  }
0xa: {  	_ =	strace $0x80000047;
	s1 =	smul.u32 $0xB00, s1;
	s3 =	ssub.s32 s5, s3  }
0xb: {  	s0 =	ssub.s32 s0, s23;
	s5 =	sand.u32 $0x20000, s22;
	s3 =	sshll.u32 s3, $0x12  }
0xc: {  	s23 =	simm.s32 $0x4000;
	s20 =	sadd.s32 s20, s1;
	s3 =	sor.u32 s5, s3  }
0xd: {  	s22 =	simm.s32 $0x8000;
	s16 =	sshrl.u32 s3, $0x3;
	s3 =	simm.s32 $0x1  }
0xe: {  	s24 =	sadd.s32 s4, s16;
	s7 =	sor.u32 $0x800, s16;
	s25 =	sadd.s32 s19, s16  }
0xf: {  	s9 =	sor.u32 $0x1000, s16;
	s11 =	sor.u32 $0x1800, s16;
	s13 =	sor.u32 $0x2000, s16  }
0x10: {  	s15 =	sor.u32 $0x2800, s16;
	s17 =	sor.u32 $0x3000, s16;
	[dreg:$0x4] =	wrdreg s24  }
0x11: {  	s21 =	sor.u32 $0x3800, s16;
	[dreg:$0x5] =	wrdreg s25;
	s26 =	sadd.s32 s4, s7  }
0x12: {  	s7 =	sadd.s32 s19, s7;
	s8 =	sadd.s32 s4, s9;
	s9 =	sadd.s32 s19, s9  }
0x13: {  	s10 =	sadd.s32 s4, s11;
	s11 =	sadd.s32 s19, s11;
	s12 =	sadd.s32 s4, s13  }
0x14: {  	s13 =	sadd.s32 s19, s13;
	s14 =	sadd.s32 s4, s15;
	s15 =	sadd.s32 s19, s15  }
0x15: {  	s16 =	sadd.s32 s4, s17;
	s17 =	sadd.s32 s19, s17;
	s18 =	sadd.s32 s4, s21  }
0x16: {  	s19 =	sadd.s32 s19, s21;
	s21 =	smax.u32 s0, $0x1;
	s24 =	simm.s32 $0xC000  }
0x17: {  	v0 =	vimm.f32 $0.0e+00;
	v1 =	vimm.f32 $1.000000000e+00;
	s25 =	simm.s32 $0x3;
	[dreg:$0x6] =	wrdreg s26;
	s26 =	simm.s32 $0x10000  }
.LBB2_1:
0x18: {  	s0 =	rddreg [dreg:$0x4]  }
0x19: {  	[tilespmem:s2], [sflag:$0x1] =	stream.linear.gather [hbm4b:s0+s2], $0x4000, $0x38;
	[tilespmem:$0x15800] =	vst v63  }
0x1a: {  	s6 =	rddreg [dreg:$0x5];
	s0 =	simm.s32 $0x10040  }
0x1b: {  	[tilespmem:s22], [sflag:$0x3] =	stream.linear.gather [hbm4b:s6+s2], $0x4000, $0x38;
	[tilespmem:$0x15800] =	vst v63  }
0x1c: {  	[tilespmem:s0+$0xFFFFFFC0] =	vst v0  }
0x1d: {  	[tilespmem:s0+$0x30] =	vst v0  }
0x1e: {  	[tilespmem:s0+$0x20] =	vst v0  }
0x1f: {  	[tilespmem:s0+$0x10] =	vst v0  }
0x20: {  	[tilespmem:s0+$0x0] =	vst v0  }
0x21: {  	[tilespmem:s0+$0xFFFFFFF0] =	vst v0  }
0x22: {  	s1 =	simm.s32 $0x0;
	[tilespmem:s0+$0xFFFFFFE0] =	vst v0  }
.LBB2_2:
0x23: {  	s1 =	sadd.s32 $0x80, s1;
	[tilespmem:s0+$0xFFFFFFD0] =	vst v0;
	s0 =	sadd.s32 $0x80, s0  }
0x24: {  	[tilespmem:s0+$0xFFFFFFC0] =	vst v0;
	p0 =	slt.u32 s1, $0x5780  }
0x25: {  	[tilespmem:s0+$0x30] =	vst v0  }
.Ltmp0:
0x26: {  	[tilespmem:s0+$0x20] =	vst v0;
	(pc) =	sbr.rel @p0 .LBB2_2-.Ltmp0, $4  }
0x27: {  	[tilespmem:s0+$0x10] =	vst v0  }
0x28: {  	[tilespmem:s0+$0x0] =	vst v0  }
0x29: {  	[tilespmem:s0+$0xFFFFFFF0] =	vst v0  }
0x2a: {  	[tilespmem:s0+$0xFFFFFFE0] =	vst v0  }
0x2b: {  	[tilespmem:s0+$0xFFFFFFD0] =	vst v0  }
0x2c: {  	s5 =	simm.s32 $0x0;
	s1 =	rddreg [dreg:$0x6]  }
0x2d: {  	[tilespmem:s23], [sflag:$0x2] =	stream.linear.gather [hbm4b:s1+s5], $0x4000, $0x38;
	[tilespmem:$0x15800] =	vst v63  }
0x2e: {  	_ = 	snop  }
0x2f: {  	[tilespmem:s24], [sflag:$0x4] =	stream.linear.gather [hbm4b:s7+s5], $0x4000, $0x38;
	[tilespmem:$0x15800] =	vst v63  }
0x30: {  	_ =	swait.ge [sflag:s3], $0x4000  }
0x31: {  	[sflag:s3] =	ssyncset.done $0x0  }
0x32: {  	s6 =	simm.s32 $0x0;
	[sflag:s3] =	ssyncadd.s32 $0xFFFFC000  }
0x33: {  	s4 =	sand.u32 $0xC00, s5;
	s1 =	sand.u32 $0x3000, s6;
	_ =	swait.ge [sflag:s25], $0x4000  }
0x34: {  	s0 =	sand.u32 $0x380, s5;
	s1 =	sor.u32 s1, s4;
	[sflag:s25] =	ssyncset.done $0x0  }
0x35: {  	s0 =	sor.u32 s0, s1;
	[sflag:s25] =	ssyncadd.s32 $0xFFFFC000  }
0x36: {  	v2 =	vld [tilespmem:s0+$0x70]  }
0x37: {  	v3 =	vld [tilespmem:s0+$0x0]  }
0x38: {  	v4 =	vld [tilespmem:s0+$0x8070]  }
0x39: {  	v5 =	vld [tilespmem:s0+$0x10]  }
0x3a: {  	v6 =	vld [tilespmem:s0+$0x20]  }
0x3b: {  	v7 =	vld [tilespmem:s0+$0x30]  }
0x3c: {  	v8 =	vld [tilespmem:s0+$0x40]  }
0x3d: {  	v9 =	vld [tilespmem:s0+$0x8000];
	v2 =	vmul.u32 $0x96, v2  }
0x3e: {  	v10 =	vld [tilespmem:s0+$0x8020]  }
0x3f: {  	v2 =	vadd.s32 v4, v2;
	v4 =	vld [tilespmem:s0+$0x8010]  }
0x40: {  	v11 =	vld [tilespmem:s0+$0x50];
	v3 =	vmul.u32 $0x96, v3  }
0x41: {  	v12 =	vld [tilespmem:s0+$0x8030];
	v6 =	vmul.u32 $0x96, v6  }
0x42: {  	v13 =	vld [tilespmem:s0+$0x60];
	v5 =	vmul.u32 $0x96, v5;
	v3 =	vadd.s32 v9, v3  }
0x43: {  	v6 =	vadd.s32 v10, v6;
	v9 =	vld [tilespmem:s0+$0x8060]  }
0x44: {  	[tilespmem:v2+s26+$0x0] =	vst.idx.add.f32.msk $0xffff, v1;
	v2 =	vadd.s32 v4, v5  }
0x45: {  	v5 =	vld [tilespmem:s0+$0x8040]  }
0x46: {  	s1 =	simm.s32 $0x80;
	v4 =	vmul.u32 $0x96, v7;
	v7 =	vld [tilespmem:s0+$0x8050];
	s0 =	simm.s32 $0x400  }
0x47: {  	s4 =	simm.s32 $0x20;
	s5 =	sand.u32 $0x3000, s1;
	[tilespmem:v3+s26+$0x0] =	vst.idx.add.f32.msk $0xffff, v1;
	s6 =	sand.u32 $0xC00, s0  }
0x48: {  	[tilespmem:v6+s26+$0x0] =	vst.idx.add.f32.msk $0xffff, v1;
	s5 =	sor.u32 s5, s6;
	s6 =	sand.u32 $0x380, s4  }
0x49: {  	s5 =	sor.u32 s6, s5;
	[tilespmem:v2+s26+$0x0] =	vst.idx.add.f32.msk $0xffff, v1  }
0x4a: {  	v2 =	vld [tilespmem:s5+$0x70]  }
0x4b: {  	v3 =	vld [tilespmem:s5+$0x8070]  }
0x4c: {  	v4 =	vadd.s32 v12, v4;
	v6 =	vld [tilespmem:s5+$0x10]  }
0x4d: {  	v10 =	vld [tilespmem:s5+$0x20]  }
0x4e: {  	v62 =	vld [tilespmem:s5+$0x30]  }
0x4f: {  	v14 =	vld [tilespmem:s5+$0x40];
	v2 =	vmul.u32 $0x96, v2  }
0x50: {  	v15 =	vld [tilespmem:s5+$0x60]  }
0x51: {  	v8 =	vmul.u32 $0x96, v8;
	[tilespmem:v4+s26+$0x0] =	vst.idx.add.f32.msk $0xffff, v1;
	v2 =	vadd.s32 v3, v2  }
0x52: {  	v4 =	vld [tilespmem:s5+$0x0]  }
0x53: {  	v16 =	vld [tilespmem:s5+$0x8000];
	v5 =	vadd.s32 v5, v8  }
0x54: {  	v17 =	vld [tilespmem:s5+$0x8010]  }
0x55: {  	v18 =	vld [tilespmem:s5+$0x8030]  }
0x56: {  	[tilespmem:v2+s26+$0x0] =	vst.idx.add.f32.msk $0xffff, v1  }
0x57: {  	v8 =	vmul.u32 $0x96, v11;
	v2 =	vmul.u32 $0x96, v4;
	v4 =	vld [tilespmem:s5+$0x8020]  }
0x58: {  	[tilespmem:v5+s26+$0x0] =	vst.idx.add.f32.msk $0xffff, v1  }
0x59: {  	v11 =	vadd.s32 v7, v8;
	v5 =	vmul.u32 $0x96, v6;
	v3 =	vld [tilespmem:s5+$0x50]  }
0x5a: {  	v19 =	vld [tilespmem:s5+$0x8040];
	v6 =	vmul.u32 $0x96, v10;
	v16 =	vadd.s32 v16, v2;
	v2 =	vmul.u32 $0x96, v13  }
0x5b: {  	v8 =	vld [tilespmem:s5+$0x8050];
	v10 =	vadd.s32 v17, v5  }
0x5c: {  	v7 =	vld [tilespmem:s5+$0x8060];
	v12 =	vmul.u32 $0x96, v62;
	v2 =	vadd.s32 v9, v2;
	v9 =	vadd.s32 v4, v6  }
0x5d: {  	v63 =	vmul.u32 $0x96, v14  }
0x5e: {  	[tilespmem:v11+s26+$0x0] =	vst.idx.add.f32.msk $0xffff, v1;
	v5 =	vmul.u32 $0x96, v3;
	v6 =	vadd.s32 v18, v12  }
0x5f: {  	v3 =	vadd.s32 v19, v63;
	v4 =	vmul.u32 $0x96, v15;
	[tilespmem:v16+s26+$0x0] =	vst.idx.add.f32.msk $0xffff, v1  }
.LBB2_4:
0x60: {  	s1 =	sadd.s32 $0x80, s1;
	[tilespmem:v10+s26+$0x0] =	vst.idx.add.f32.msk $0xffff, v1;
	v11 =	vadd.s32 v8, v5;
	s0 =	sadd.s32 $0x400, s0  }
0x61: {  	s4 =	sadd.s32 $0x20, s4;
	s5 =	sand.u32 $0x3000, s1;
	s6 =	sand.u32 $0xC00, s0;
	[tilespmem:v9+s26+$0x0] =	vst.idx.add.f32.msk $0xffff, v1;
	v4 =	vadd.s32 v7, v4  }
0x62: {  	p0 =	slt.u32 s1, $0x3F80;
	s5 =	sor.u32 s5, s6;
	s6 =	sand.u32 $0x380, s4;
	[tilespmem:v2+s26+$0x0] =	vst.idx.add.f32.msk $0xffff, v1;
	v2 =	vmov v4  }
0x63: {  	s5 =	sor.u32 s6, s5;
	[tilespmem:v6+s26+$0x0] =	vst.idx.add.f32.msk $0xffff, v1  }
0x64: {  	v4 =	vld [tilespmem:s5+$0x70]  }
0x65: {  	v5 =	vld [tilespmem:s5+$0x0]  }
0x66: {  	v6 =	vld [tilespmem:s5+$0x8070]  }
0x67: {  	v7 =	vld [tilespmem:s5+$0x10]  }
0x68: {  	v8 =	vld [tilespmem:s5+$0x20]  }
0x69: {  	v9 =	vld [tilespmem:s5+$0x30];
	v4 =	vmul.u32 $0x96, v4  }
0x6a: {  	v10 =	vmul.u32 $0x96, v5;
	v5 =	vld [tilespmem:s5+$0x40]  }
0x6b: {  	v12 =	vld [tilespmem:s5+$0x50];
	v4 =	vadd.s32 v6, v4  }
0x6c: {  	v6 =	vmul.u32 $0x96, v7;
	v7 =	vld [tilespmem:s5+$0x60]  }
0x6d: {  	v13 =	vld [tilespmem:s5+$0x8000];
	v14 =	vmul.u32 $0x96, v8  }
0x6e: {  	v8 =	vld [tilespmem:s5+$0x8010];
	v15 =	vmul.u32 $0x96, v9  }
0x6f: {  	v9 =	vld [tilespmem:s5+$0x8020];
	v16 =	vmul.u32 $0x96, v5  }
0x70: {  	v5 =	vmul.u32 $0x96, v12;
	[tilespmem:v4+s26+$0x0] =	vst.idx.add.f32.msk $0xffff, v1  }
0x71: {  	v12 =	vld [tilespmem:s5+$0x8030];
	v4 =	vmul.u32 $0x96, v7  }
0x72: {  	v13 =	vadd.s32 v13, v10;
	v17 =	vld [tilespmem:s5+$0x8040]  }
.Ltmp1:
0x73: {  	v10 =	vadd.s32 v8, v6;
	v8 =	vld [tilespmem:s5+$0x8050];
	(pc) =	sbr.rel @p0 .LBB2_4-.Ltmp1, $4  }
0x74: {  	v9 =	vadd.s32 v9, v14;
	v7 =	vld [tilespmem:s5+$0x8060]  }
0x75: {  	[tilespmem:v3+s26+$0x0] =	vst.idx.add.f32.msk $0xffff, v1  }
0x76: {  	v6 =	vadd.s32 v12, v15;
	[tilespmem:v11+s26+$0x0] =	vst.idx.add.f32.msk $0xffff, v1  }
0x77: {  	[tilespmem:v13+s26+$0x0] =	vst.idx.add.f32.msk $0xffff, v1;
	v3 =	vadd.s32 v17, v16  }
0x78: {  	_ =	sdelay $0x3  }
0x79: {  	[tilespmem:v10+s26+$0x0] =	vst.idx.add.f32.msk $0xffff, v1;
	v5 =	vadd.s32 v8, v5  }
0x7a: {  	[tilespmem:v9+s26+$0x0] =	vst.idx.add.f32.msk $0xffff, v1;
	v4 =	vadd.s32 v7, v4  }
0x7b: {  	[tilespmem:v2+s26+$0x0] =	vst.idx.add.f32.msk $0xffff, v1  }
0x7c: {  	[tilespmem:v6+s26+$0x0] =	vst.idx.add.f32.msk $0xffff, v1  }
0x7d: {  	[tilespmem:v3+s26+$0x0] =	vst.idx.add.f32.msk $0xffff, v1  }
0x7e: {  	[tilespmem:v5+s26+$0x0] =	vst.idx.add.f32.msk $0xffff, v1  }
0x7f: {  	s0 =	simm.s32 $0x0;
	[tilespmem:v4+s26+$0x0] =	vst.idx.add.f32.msk $0xffff, v1  }
0x80: {  	[tilespmem:s0], [sflag:$0x1] =	stream.linear.gather [hbm4b:s8+s0], $0x4000, $0x38;
	[tilespmem:$0x15800] =	vst v63  }
0x81: {  	_ = 	snop  }
0x82: {  	[tilespmem:s22], [sflag:$0x3] =	stream.linear.gather [hbm4b:s9+s0], $0x4000, $0x38;
	[tilespmem:$0x15800] =	vst v63  }
0x83: {  	_ =	swait.ge [sflag:s28], $0x4000  }
0x84: {  	[sflag:s28] =	ssyncset.done $0x0  }
0x85: {  	s1 =	simm.s32 $0x0;
	[sflag:s28] =	ssyncadd.s32 $0xFFFFC000  }
0x86: {  	s1 =	sand.u32 $0x3000, s1;
	s4 =	sand.u32 $0xC00, s0;
	_ =	swait.ge [sflag:s29], $0x4000  }
0x87: {  	s1 =	sor.u32 s1, s4;
	s0 =	sand.u32 $0x380, s0;
	[sflag:s29] =	ssyncset.done $0x0  }
0x88: {  	s0 =	sor.u32 s0, s1;
	[sflag:s29] =	ssyncadd.s32 $0xFFFFC000  }
0x89: {  	v2 =	vld [tilespmem:s0+$0x4070]  }
0x8a: {  	v3 =	vld [tilespmem:s0+$0x4000]  }
0x8b: {  	v4 =	vld [tilespmem:s0+$0xC070]  }
0x8c: {  	v5 =	vld [tilespmem:s0+$0x4010]  }
0x8d: {  	v6 =	vld [tilespmem:s0+$0x4020]  }
0x8e: {  	v7 =	vld [tilespmem:s0+$0x4030]  }
0x8f: {  	v8 =	vld [tilespmem:s0+$0x4040]  }
0x90: {  	v9 =	vld [tilespmem:s0+$0xC000];
	v2 =	vmul.u32 $0x96, v2  }
0x91: {  	v10 =	vld [tilespmem:s0+$0xC020]  }
0x92: {  	v2 =	vadd.s32 v4, v2;
	v4 =	vld [tilespmem:s0+$0xC010]  }
0x93: {  	v11 =	vld [tilespmem:s0+$0x4050];
	v3 =	vmul.u32 $0x96, v3  }
0x94: {  	v12 =	vld [tilespmem:s0+$0xC030];
	v6 =	vmul.u32 $0x96, v6  }
0x95: {  	v13 =	vld [tilespmem:s0+$0x4060];
	v5 =	vmul.u32 $0x96, v5;
	v3 =	vadd.s32 v9, v3  }
0x96: {  	v6 =	vadd.s32 v10, v6;
	v9 =	vld [tilespmem:s0+$0xC060]  }
0x97: {  	[tilespmem:v2+s26+$0x0] =	vst.idx.add.f32.msk $0xffff, v1;
	v2 =	vadd.s32 v4, v5  }
0x98: {  	v5 =	vld [tilespmem:s0+$0xC040]  }
0x99: {  	s1 =	simm.s32 $0x80;
	v4 =	vmul.u32 $0x96, v7;
	v7 =	vld [tilespmem:s0+$0xC050];
	s0 =	simm.s32 $0x400  }
0x9a: {  	s4 =	simm.s32 $0x20;
	s5 =	sand.u32 $0x3000, s1;
	[tilespmem:v3+s26+$0x0] =	vst.idx.add.f32.msk $0xffff, v1;
	s6 =	sand.u32 $0xC00, s0  }
0x9b: {  	[tilespmem:v6+s26+$0x0] =	vst.idx.add.f32.msk $0xffff, v1;
	s5 =	sor.u32 s5, s6;
	s6 =	sand.u32 $0x380, s4  }
0x9c: {  	s5 =	sor.u32 s6, s5;
	[tilespmem:v2+s26+$0x0] =	vst.idx.add.f32.msk $0xffff, v1  }
0x9d: {  	v2 =	vld [tilespmem:s5+$0x4070]  }
0x9e: {  	v3 =	vld [tilespmem:s5+$0xC070]  }
0x9f: {  	v4 =	vadd.s32 v12, v4;
	v6 =	vld [tilespmem:s5+$0x4010]  }
0xa0: {  	v10 =	vld [tilespmem:s5+$0x4020]  }
0xa1: {  	v62 =	vld [tilespmem:s5+$0x4030]  }
0xa2: {  	v14 =	vld [tilespmem:s5+$0x4040];
	v2 =	vmul.u32 $0x96, v2  }
0xa3: {  	v15 =	vld [tilespmem:s5+$0x4060]  }
0xa4: {  	v8 =	vmul.u32 $0x96, v8;
	[tilespmem:v4+s26+$0x0] =	vst.idx.add.f32.msk $0xffff, v1;
	v2 =	vadd.s32 v3, v2  }
0xa5: {  	v4 =	vld [tilespmem:s5+$0x4000]  }
0xa6: {  	v16 =	vld [tilespmem:s5+$0xC000];
	v5 =	vadd.s32 v5, v8  }
0xa7: {  	v17 =	vld [tilespmem:s5+$0xC010]  }
0xa8: {  	v18 =	vld [tilespmem:s5+$0xC030]  }
0xa9: {  	[tilespmem:v2+s26+$0x0] =	vst.idx.add.f32.msk $0xffff, v1  }
0xaa: {  	v8 =	vmul.u32 $0x96, v11;
	v2 =	vmul.u32 $0x96, v4;
	v4 =	vld [tilespmem:s5+$0xC020]  }
0xab: {  	[tilespmem:v5+s26+$0x0] =	vst.idx.add.f32.msk $0xffff, v1  }
0xac: {  	v11 =	vadd.s32 v7, v8;
	v5 =	vmul.u32 $0x96, v6;
	v3 =	vld [tilespmem:s5+$0x4050]  }
0xad: {  	v19 =	vld [tilespmem:s5+$0xC040];
	v6 =	vmul.u32 $0x96, v10;
	v16 =	vadd.s32 v16, v2;
	v2 =	vmul.u32 $0x96, v13  }
0xae: {  	v8 =	vld [tilespmem:s5+$0xC050];
	v10 =	vadd.s32 v17, v5  }
0xaf: {  	v7 =	vld [tilespmem:s5+$0xC060];
	v12 =	vmul.u32 $0x96, v62;
	v2 =	vadd.s32 v9, v2;
	v9 =	vadd.s32 v4, v6  }
0xb0: {  	v63 =	vmul.u32 $0x96, v14  }
0xb1: {  	[tilespmem:v11+s26+$0x0] =	vst.idx.add.f32.msk $0xffff, v1;
	v5 =	vmul.u32 $0x96, v3;
	v6 =	vadd.s32 v18, v12  }
0xb2: {  	v3 =	vadd.s32 v19, v63;
	v4 =	vmul.u32 $0x96, v15;
	[tilespmem:v16+s26+$0x0] =	vst.idx.add.f32.msk $0xffff, v1  }
.LBB2_6:
0xb3: {  	s1 =	sadd.s32 $0x80, s1;
	[tilespmem:v10+s26+$0x0] =	vst.idx.add.f32.msk $0xffff, v1;
	v11 =	vadd.s32 v8, v5;
	s0 =	sadd.s32 $0x400, s0  }
0xb4: {  	s4 =	sadd.s32 $0x20, s4;
	s5 =	sand.u32 $0x3000, s1;
	s6 =	sand.u32 $0xC00, s0;
	[tilespmem:v9+s26+$0x0] =	vst.idx.add.f32.msk $0xffff, v1;
	v4 =	vadd.s32 v7, v4  }
0xb5: {  	p0 =	slt.u32 s1, $0x3F80;
	s5 =	sor.u32 s5, s6;
	s6 =	sand.u32 $0x380, s4;
	[tilespmem:v2+s26+$0x0] =	vst.idx.add.f32.msk $0xffff, v1;
	v2 =	vmov v4  }
0xb6: {  	s5 =	sor.u32 s6, s5;
	[tilespmem:v6+s26+$0x0] =	vst.idx.add.f32.msk $0xffff, v1  }
0xb7: {  	v4 =	vld [tilespmem:s5+$0x4070]  }
0xb8: {  	v5 =	vld [tilespmem:s5+$0x4000]  }
0xb9: {  	v6 =	vld [tilespmem:s5+$0xC070]  }
0xba: {  	v7 =	vld [tilespmem:s5+$0x4010]  }
0xbb: {  	v8 =	vld [tilespmem:s5+$0x4020]  }
0xbc: {  	v9 =	vld [tilespmem:s5+$0x4030];
	v4 =	vmul.u32 $0x96, v4  }
0xbd: {  	v10 =	vmul.u32 $0x96, v5;
	v5 =	vld [tilespmem:s5+$0x4040]  }
0xbe: {  	v12 =	vld [tilespmem:s5+$0x4050];
	v4 =	vadd.s32 v6, v4  }
0xbf: {  	v6 =	vmul.u32 $0x96, v7;
	v7 =	vld [tilespmem:s5+$0x4060]  }
0xc0: {  	v13 =	vld [tilespmem:s5+$0xC000];
	v14 =	vmul.u32 $0x96, v8  }
0xc1: {  	v8 =	vld [tilespmem:s5+$0xC010];
	v15 =	vmul.u32 $0x96, v9  }
0xc2: {  	v9 =	vld [tilespmem:s5+$0xC020];
	v16 =	vmul.u32 $0x96, v5  }
0xc3: {  	v5 =	vmul.u32 $0x96, v12;
	[tilespmem:v4+s26+$0x0] =	vst.idx.add.f32.msk $0xffff, v1  }
0xc4: {  	v12 =	vld [tilespmem:s5+$0xC030];
	v4 =	vmul.u32 $0x96, v7  }
0xc5: {  	v13 =	vadd.s32 v13, v10;
	v17 =	vld [tilespmem:s5+$0xC040]  }
.Ltmp2:
0xc6: {  	v10 =	vadd.s32 v8, v6;
	v8 =	vld [tilespmem:s5+$0xC050];
	(pc) =	sbr.rel @p0 .LBB2_6-.Ltmp2, $4  }
0xc7: {  	v9 =	vadd.s32 v9, v14;
	v7 =	vld [tilespmem:s5+$0xC060]  }
0xc8: {  	[tilespmem:v3+s26+$0x0] =	vst.idx.add.f32.msk $0xffff, v1  }
0xc9: {  	v6 =	vadd.s32 v12, v15;
	[tilespmem:v11+s26+$0x0] =	vst.idx.add.f32.msk $0xffff, v1  }
0xca: {  	[tilespmem:v13+s26+$0x0] =	vst.idx.add.f32.msk $0xffff, v1;
	v3 =	vadd.s32 v17, v16  }
0xcb: {  	_ =	sdelay $0x3  }
0xcc: {  	[tilespmem:v10+s26+$0x0] =	vst.idx.add.f32.msk $0xffff, v1;
	v5 =	vadd.s32 v8, v5  }
0xcd: {  	[tilespmem:v9+s26+$0x0] =	vst.idx.add.f32.msk $0xffff, v1;
	v4 =	vadd.s32 v7, v4  }
0xce: {  	[tilespmem:v2+s26+$0x0] =	vst.idx.add.f32.msk $0xffff, v1  }
0xcf: {  	[tilespmem:v6+s26+$0x0] =	vst.idx.add.f32.msk $0xffff, v1  }
0xd0: {  	[tilespmem:v3+s26+$0x0] =	vst.idx.add.f32.msk $0xffff, v1  }
0xd1: {  	[tilespmem:v5+s26+$0x0] =	vst.idx.add.f32.msk $0xffff, v1  }
0xd2: {  	s0 =	simm.s32 $0x0;
	[tilespmem:v4+s26+$0x0] =	vst.idx.add.f32.msk $0xffff, v1  }
0xd3: {  	[tilespmem:s23], [sflag:$0x2] =	stream.linear.gather [hbm4b:s10+s0], $0x4000, $0x38;
	[tilespmem:$0x15800] =	vst v63  }
0xd4: {  	_ = 	snop  }
0xd5: {  	[tilespmem:s24], [sflag:$0x4] =	stream.linear.gather [hbm4b:s11+s0], $0x4000, $0x38;
	[tilespmem:$0x15800] =	vst v63  }
0xd6: {  	_ =	swait.ge [sflag:s3], $0x4000  }
0xd7: {  	[sflag:s3] =	ssyncset.done $0x0  }
0xd8: {  	s1 =	simm.s32 $0x0;
	[sflag:s3] =	ssyncadd.s32 $0xFFFFC000  }
0xd9: {  	s1 =	sand.u32 $0x3000, s1;
	s4 =	sand.u32 $0xC00, s0;
	_ =	swait.ge [sflag:s25], $0x4000  }
0xda: {  	s1 =	sor.u32 s1, s4;
	s0 =	sand.u32 $0x380, s0;
	[sflag:s25] =	ssyncset.done $0x0  }
0xdb: {  	s0 =	sor.u32 s0, s1;
	[sflag:s25] =	ssyncadd.s32 $0xFFFFC000  }
0xdc: {  	v2 =	vld [tilespmem:s0+$0x70]  }
0xdd: {  	v3 =	vld [tilespmem:s0+$0x0]  }
0xde: {  	v4 =	vld [tilespmem:s0+$0x8070]  }
0xdf: {  	v5 =	vld [tilespmem:s0+$0x10]  }
0xe0: {  	v6 =	vld [tilespmem:s0+$0x20]  }
0xe1: {  	v7 =	vld [tilespmem:s0+$0x30]  }
0xe2: {  	v8 =	vld [tilespmem:s0+$0x40]  }
0xe3: {  	v9 =	vld [tilespmem:s0+$0x8000];
	v2 =	vmul.u32 $0x96, v2  }
0xe4: {  	v10 =	vld [tilespmem:s0+$0x8020]  }
0xe5: {  	v2 =	vadd.s32 v4, v2;
	v4 =	vld [tilespmem:s0+$0x8010]  }
0xe6: {  	v11 =	vld [tilespmem:s0+$0x50];
	v3 =	vmul.u32 $0x96, v3  }
0xe7: {  	v12 =	vld [tilespmem:s0+$0x8030];
	v6 =	vmul.u32 $0x96, v6  }
0xe8: {  	v13 =	vld [tilespmem:s0+$0x60];
	v5 =	vmul.u32 $0x96, v5;
	v3 =	vadd.s32 v9, v3  }
0xe9: {  	v6 =	vadd.s32 v10, v6;
	v9 =	vld [tilespmem:s0+$0x8060]  }
0xea: {  	[tilespmem:v2+s26+$0x0] =	vst.idx.add.f32.msk $0xffff, v1;
	v2 =	vadd.s32 v4, v5  }
0xeb: {  	v5 =	vld [tilespmem:s0+$0x8040]  }
0xec: {  	s1 =	simm.s32 $0x80;
	v4 =	vmul.u32 $0x96, v7;
	v7 =	vld [tilespmem:s0+$0x8050];
	s0 =	simm.s32 $0x400  }
0xed: {  	s4 =	simm.s32 $0x20;
	s5 =	sand.u32 $0x3000, s1;
	[tilespmem:v3+s26+$0x0] =	vst.idx.add.f32.msk $0xffff, v1;
	s6 =	sand.u32 $0xC00, s0  }
0xee: {  	[tilespmem:v6+s26+$0x0] =	vst.idx.add.f32.msk $0xffff, v1;
	s5 =	sor.u32 s5, s6;
	s6 =	sand.u32 $0x380, s4  }
0xef: {  	s5 =	sor.u32 s6, s5;
	[tilespmem:v2+s26+$0x0] =	vst.idx.add.f32.msk $0xffff, v1  }
0xf0: {  	v2 =	vld [tilespmem:s5+$0x70]  }
0xf1: {  	v3 =	vld [tilespmem:s5+$0x8070]  }
0xf2: {  	v4 =	vadd.s32 v12, v4;
	v6 =	vld [tilespmem:s5+$0x10]  }
0xf3: {  	v10 =	vld [tilespmem:s5+$0x20]  }
0xf4: {  	v62 =	vld [tilespmem:s5+$0x30]  }
0xf5: {  	v14 =	vld [tilespmem:s5+$0x40];
	v2 =	vmul.u32 $0x96, v2  }
0xf6: {  	v15 =	vld [tilespmem:s5+$0x60]  }
0xf7: {  	v8 =	vmul.u32 $0x96, v8;
	[tilespmem:v4+s26+$0x0] =	vst.idx.add.f32.msk $0xffff, v1;
	v2 =	vadd.s32 v3, v2  }
0xf8: {  	v4 =	vld [tilespmem:s5+$0x0]  }
0xf9: {  	v16 =	vld [tilespmem:s5+$0x8000];
	v5 =	vadd.s32 v5, v8  }
0xfa: {  	v17 =	vld [tilespmem:s5+$0x8010]  }
0xfb: {  	v18 =	vld [tilespmem:s5+$0x8030]  }
0xfc: {  	[tilespmem:v2+s26+$0x0] =	vst.idx.add.f32.msk $0xffff, v1  }
0xfd: {  	v8 =	vmul.u32 $0x96, v11;
	v2 =	vmul.u32 $0x96, v4;
	v4 =	vld [tilespmem:s5+$0x8020]  }
0xfe: {  	[tilespmem:v5+s26+$0x0] =	vst.idx.add.f32.msk $0xffff, v1  }
0xff: {  	v11 =	vadd.s32 v7, v8;
	v5 =	vmul.u32 $0x96, v6;
	v3 =	vld [tilespmem:s5+$0x50]  }
0x100: {  	v19 =	vld [tilespmem:s5+$0x8040];
	v6 =	vmul.u32 $0x96, v10;
	v16 =	vadd.s32 v16, v2;
	v2 =	vmul.u32 $0x96, v13  }
0x101: {  	v8 =	vld [tilespmem:s5+$0x8050];
	v10 =	vadd.s32 v17, v5  }
0x102: {  	v7 =	vld [tilespmem:s5+$0x8060];
	v12 =	vmul.u32 $0x96, v62;
	v2 =	vadd.s32 v9, v2;
	v9 =	vadd.s32 v4, v6  }
0x103: {  	v63 =	vmul.u32 $0x96, v14  }
0x104: {  	[tilespmem:v11+s26+$0x0] =	vst.idx.add.f32.msk $0xffff, v1;
	v5 =	vmul.u32 $0x96, v3;
	v6 =	vadd.s32 v18, v12  }
0x105: {  	v3 =	vadd.s32 v19, v63;
	v4 =	vmul.u32 $0x96, v15;
	[tilespmem:v16+s26+$0x0] =	vst.idx.add.f32.msk $0xffff, v1  }
.LBB2_8:
0x106: {  	s1 =	sadd.s32 $0x80, s1;
	[tilespmem:v10+s26+$0x0] =	vst.idx.add.f32.msk $0xffff, v1;
	v11 =	vadd.s32 v8, v5;
	s0 =	sadd.s32 $0x400, s0  }
0x107: {  	s4 =	sadd.s32 $0x20, s4;
	s5 =	sand.u32 $0x3000, s1;
	s6 =	sand.u32 $0xC00, s0;
	[tilespmem:v9+s26+$0x0] =	vst.idx.add.f32.msk $0xffff, v1;
	v4 =	vadd.s32 v7, v4  }
0x108: {  	p0 =	slt.u32 s1, $0x3F80;
	s5 =	sor.u32 s5, s6;
	s6 =	sand.u32 $0x380, s4;
	[tilespmem:v2+s26+$0x0] =	vst.idx.add.f32.msk $0xffff, v1;
	v2 =	vmov v4  }
0x109: {  	s5 =	sor.u32 s6, s5;
	[tilespmem:v6+s26+$0x0] =	vst.idx.add.f32.msk $0xffff, v1  }
0x10a: {  	v4 =	vld [tilespmem:s5+$0x70]  }
0x10b: {  	v5 =	vld [tilespmem:s5+$0x0]  }
0x10c: {  	v6 =	vld [tilespmem:s5+$0x8070]  }
0x10d: {  	v7 =	vld [tilespmem:s5+$0x10]  }
0x10e: {  	v8 =	vld [tilespmem:s5+$0x20]  }
0x10f: {  	v9 =	vld [tilespmem:s5+$0x30];
	v4 =	vmul.u32 $0x96, v4  }
0x110: {  	v10 =	vmul.u32 $0x96, v5;
	v5 =	vld [tilespmem:s5+$0x40]  }
0x111: {  	v12 =	vld [tilespmem:s5+$0x50];
	v4 =	vadd.s32 v6, v4  }
0x112: {  	v6 =	vmul.u32 $0x96, v7;
	v7 =	vld [tilespmem:s5+$0x60]  }
0x113: {  	v13 =	vld [tilespmem:s5+$0x8000];
	v14 =	vmul.u32 $0x96, v8  }
0x114: {  	v8 =	vld [tilespmem:s5+$0x8010];
	v15 =	vmul.u32 $0x96, v9  }
0x115: {  	v9 =	vld [tilespmem:s5+$0x8020];
	v16 =	vmul.u32 $0x96, v5  }
0x116: {  	v5 =	vmul.u32 $0x96, v12;
	[tilespmem:v4+s26+$0x0] =	vst.idx.add.f32.msk $0xffff, v1  }
0x117: {  	v12 =	vld [tilespmem:s5+$0x8030];
	v4 =	vmul.u32 $0x96, v7  }
0x118: {  	v13 =	vadd.s32 v13, v10;
	v17 =	vld [tilespmem:s5+$0x8040]  }
.Ltmp3:
0x119: {  	v10 =	vadd.s32 v8, v6;
	v8 =	vld [tilespmem:s5+$0x8050];
	(pc) =	sbr.rel @p0 .LBB2_8-.Ltmp3, $4  }
0x11a: {  	v9 =	vadd.s32 v9, v14;
	v7 =	vld [tilespmem:s5+$0x8060]  }
0x11b: {  	[tilespmem:v3+s26+$0x0] =	vst.idx.add.f32.msk $0xffff, v1  }
0x11c: {  	v6 =	vadd.s32 v12, v15;
	[tilespmem:v11+s26+$0x0] =	vst.idx.add.f32.msk $0xffff, v1  }
0x11d: {  	[tilespmem:v13+s26+$0x0] =	vst.idx.add.f32.msk $0xffff, v1;
	v3 =	vadd.s32 v17, v16  }
0x11e: {  	_ =	sdelay $0x3  }
0x11f: {  	[tilespmem:v10+s26+$0x0] =	vst.idx.add.f32.msk $0xffff, v1;
	v5 =	vadd.s32 v8, v5  }
0x120: {  	[tilespmem:v9+s26+$0x0] =	vst.idx.add.f32.msk $0xffff, v1;
	v4 =	vadd.s32 v7, v4  }
0x121: {  	[tilespmem:v2+s26+$0x0] =	vst.idx.add.f32.msk $0xffff, v1  }
0x122: {  	[tilespmem:v6+s26+$0x0] =	vst.idx.add.f32.msk $0xffff, v1  }
0x123: {  	[tilespmem:v3+s26+$0x0] =	vst.idx.add.f32.msk $0xffff, v1  }
0x124: {  	[tilespmem:v5+s26+$0x0] =	vst.idx.add.f32.msk $0xffff, v1  }
0x125: {  	s0 =	simm.s32 $0x0;
	[tilespmem:v4+s26+$0x0] =	vst.idx.add.f32.msk $0xffff, v1  }
0x126: {  	[tilespmem:s0], [sflag:$0x1] =	stream.linear.gather [hbm4b:s12+s0], $0x4000, $0x38;
	[tilespmem:$0x15800] =	vst v63  }
0x127: {  	_ = 	snop  }
0x128: {  	[tilespmem:s22], [sflag:$0x3] =	stream.linear.gather [hbm4b:s13+s0], $0x4000, $0x38;
	[tilespmem:$0x15800] =	vst v63  }
0x129: {  	_ =	swait.ge [sflag:s28], $0x4000  }
0x12a: {  	[sflag:s28] =	ssyncset.done $0x0  }
0x12b: {  	s1 =	simm.s32 $0x0;
	[sflag:s28] =	ssyncadd.s32 $0xFFFFC000  }
0x12c: {  	s1 =	sand.u32 $0x3000, s1;
	s4 =	sand.u32 $0xC00, s0;
	_ =	swait.ge [sflag:s29], $0x4000  }
0x12d: {  	s1 =	sor.u32 s1, s4;
	s0 =	sand.u32 $0x380, s0;
	[sflag:s29] =	ssyncset.done $0x0  }
0x12e: {  	s0 =	sor.u32 s0, s1;
	[sflag:s29] =	ssyncadd.s32 $0xFFFFC000  }
0x12f: {  	v2 =	vld [tilespmem:s0+$0x4070]  }
0x130: {  	v3 =	vld [tilespmem:s0+$0x4000]  }
0x131: {  	v4 =	vld [tilespmem:s0+$0xC070]  }
0x132: {  	v5 =	vld [tilespmem:s0+$0x4010]  }
0x133: {  	v6 =	vld [tilespmem:s0+$0x4020]  }
0x134: {  	v7 =	vld [tilespmem:s0+$0x4030]  }
0x135: {  	v8 =	vld [tilespmem:s0+$0x4040]  }
0x136: {  	v9 =	vld [tilespmem:s0+$0xC000];
	v2 =	vmul.u32 $0x96, v2  }
0x137: {  	v10 =	vld [tilespmem:s0+$0xC020]  }
0x138: {  	v2 =	vadd.s32 v4, v2;
	v4 =	vld [tilespmem:s0+$0xC010]  }
0x139: {  	v11 =	vld [tilespmem:s0+$0x4050];
	v3 =	vmul.u32 $0x96, v3  }
0x13a: {  	v12 =	vld [tilespmem:s0+$0xC030];
	v6 =	vmul.u32 $0x96, v6  }
0x13b: {  	v13 =	vld [tilespmem:s0+$0x4060];
	v5 =	vmul.u32 $0x96, v5;
	v3 =	vadd.s32 v9, v3  }
0x13c: {  	v6 =	vadd.s32 v10, v6;
	v9 =	vld [tilespmem:s0+$0xC060]  }
0x13d: {  	[tilespmem:v2+s26+$0x0] =	vst.idx.add.f32.msk $0xffff, v1;
	v2 =	vadd.s32 v4, v5  }
0x13e: {  	v5 =	vld [tilespmem:s0+$0xC040]  }
0x13f: {  	s1 =	simm.s32 $0x80;
	v4 =	vmul.u32 $0x96, v7;
	v7 =	vld [tilespmem:s0+$0xC050];
	s0 =	simm.s32 $0x400  }
0x140: {  	s4 =	simm.s32 $0x20;
	s5 =	sand.u32 $0x3000, s1;
	[tilespmem:v3+s26+$0x0] =	vst.idx.add.f32.msk $0xffff, v1;
	s6 =	sand.u32 $0xC00, s0  }
0x141: {  	[tilespmem:v6+s26+$0x0] =	vst.idx.add.f32.msk $0xffff, v1;
	s5 =	sor.u32 s5, s6;
	s6 =	sand.u32 $0x380, s4  }
0x142: {  	s5 =	sor.u32 s6, s5;
	[tilespmem:v2+s26+$0x0] =	vst.idx.add.f32.msk $0xffff, v1  }
0x143: {  	v2 =	vld [tilespmem:s5+$0x4070]  }
0x144: {  	v3 =	vld [tilespmem:s5+$0xC070]  }
0x145: {  	v4 =	vadd.s32 v12, v4;
	v6 =	vld [tilespmem:s5+$0x4010]  }
0x146: {  	v10 =	vld [tilespmem:s5+$0x4020]  }
0x147: {  	v62 =	vld [tilespmem:s5+$0x4030]  }
0x148: {  	v14 =	vld [tilespmem:s5+$0x4040];
	v2 =	vmul.u32 $0x96, v2  }
0x149: {  	v15 =	vld [tilespmem:s5+$0x4060]  }
0x14a: {  	v8 =	vmul.u32 $0x96, v8;
	[tilespmem:v4+s26+$0x0] =	vst.idx.add.f32.msk $0xffff, v1;
	v2 =	vadd.s32 v3, v2  }
0x14b: {  	v4 =	vld [tilespmem:s5+$0x4000]  }
0x14c: {  	v16 =	vld [tilespmem:s5+$0xC000];
	v5 =	vadd.s32 v5, v8  }
0x14d: {  	v17 =	vld [tilespmem:s5+$0xC010]  }
0x14e: {  	v18 =	vld [tilespmem:s5+$0xC030]  }
0x14f: {  	[tilespmem:v2+s26+$0x0] =	vst.idx.add.f32.msk $0xffff, v1  }
0x150: {  	v8 =	vmul.u32 $0x96, v11;
	v2 =	vmul.u32 $0x96, v4;
	v4 =	vld [tilespmem:s5+$0xC020]  }
0x151: {  	[tilespmem:v5+s26+$0x0] =	vst.idx.add.f32.msk $0xffff, v1  }
0x152: {  	v11 =	vadd.s32 v7, v8;
	v5 =	vmul.u32 $0x96, v6;
	v3 =	vld [tilespmem:s5+$0x4050]  }
0x153: {  	v19 =	vld [tilespmem:s5+$0xC040];
	v6 =	vmul.u32 $0x96, v10;
	v16 =	vadd.s32 v16, v2;
	v2 =	vmul.u32 $0x96, v13  }
0x154: {  	v8 =	vld [tilespmem:s5+$0xC050];
	v10 =	vadd.s32 v17, v5  }
0x155: {  	v7 =	vld [tilespmem:s5+$0xC060];
	v12 =	vmul.u32 $0x96, v62;
	v2 =	vadd.s32 v9, v2;
	v9 =	vadd.s32 v4, v6  }
0x156: {  	v63 =	vmul.u32 $0x96, v14  }
0x157: {  	[tilespmem:v11+s26+$0x0] =	vst.idx.add.f32.msk $0xffff, v1;
	v5 =	vmul.u32 $0x96, v3;
	v6 =	vadd.s32 v18, v12  }
0x158: {  	v3 =	vadd.s32 v19, v63;
	v4 =	vmul.u32 $0x96, v15;
	[tilespmem:v16+s26+$0x0] =	vst.idx.add.f32.msk $0xffff, v1  }
.LBB2_10:
0x159: {  	s1 =	sadd.s32 $0x80, s1;
	[tilespmem:v10+s26+$0x0] =	vst.idx.add.f32.msk $0xffff, v1;
	v11 =	vadd.s32 v8, v5;
	s0 =	sadd.s32 $0x400, s0  }
0x15a: {  	s4 =	sadd.s32 $0x20, s4;
	s5 =	sand.u32 $0x3000, s1;
	s6 =	sand.u32 $0xC00, s0;
	[tilespmem:v9+s26+$0x0] =	vst.idx.add.f32.msk $0xffff, v1;
	v4 =	vadd.s32 v7, v4  }
0x15b: {  	p0 =	slt.u32 s1, $0x3F80;
	s5 =	sor.u32 s5, s6;
	s6 =	sand.u32 $0x380, s4;
	[tilespmem:v2+s26+$0x0] =	vst.idx.add.f32.msk $0xffff, v1;
	v2 =	vmov v4  }
0x15c: {  	s5 =	sor.u32 s6, s5;
	[tilespmem:v6+s26+$0x0] =	vst.idx.add.f32.msk $0xffff, v1  }
0x15d: {  	v4 =	vld [tilespmem:s5+$0x4070]  }
0x15e: {  	v5 =	vld [tilespmem:s5+$0x4000]  }
0x15f: {  	v6 =	vld [tilespmem:s5+$0xC070]  }
0x160: {  	v7 =	vld [tilespmem:s5+$0x4010]  }
0x161: {  	v8 =	vld [tilespmem:s5+$0x4020]  }
0x162: {  	v9 =	vld [tilespmem:s5+$0x4030];
	v4 =	vmul.u32 $0x96, v4  }
0x163: {  	v10 =	vmul.u32 $0x96, v5;
	v5 =	vld [tilespmem:s5+$0x4040]  }
0x164: {  	v12 =	vld [tilespmem:s5+$0x4050];
	v4 =	vadd.s32 v6, v4  }
0x165: {  	v6 =	vmul.u32 $0x96, v7;
	v7 =	vld [tilespmem:s5+$0x4060]  }
0x166: {  	v13 =	vld [tilespmem:s5+$0xC000];
	v14 =	vmul.u32 $0x96, v8  }
0x167: {  	v8 =	vld [tilespmem:s5+$0xC010];
	v15 =	vmul.u32 $0x96, v9  }
0x168: {  	v9 =	vld [tilespmem:s5+$0xC020];
	v16 =	vmul.u32 $0x96, v5  }
0x169: {  	v5 =	vmul.u32 $0x96, v12;
	[tilespmem:v4+s26+$0x0] =	vst.idx.add.f32.msk $0xffff, v1  }
0x16a: {  	v12 =	vld [tilespmem:s5+$0xC030];
	v4 =	vmul.u32 $0x96, v7  }
0x16b: {  	v13 =	vadd.s32 v13, v10;
	v17 =	vld [tilespmem:s5+$0xC040]  }
.Ltmp4:
0x16c: {  	v10 =	vadd.s32 v8, v6;
	v8 =	vld [tilespmem:s5+$0xC050];
	(pc) =	sbr.rel @p0 .LBB2_10-.Ltmp4, $4  }
0x16d: {  	v9 =	vadd.s32 v9, v14;
	v7 =	vld [tilespmem:s5+$0xC060]  }
0x16e: {  	[tilespmem:v3+s26+$0x0] =	vst.idx.add.f32.msk $0xffff, v1  }
0x16f: {  	v6 =	vadd.s32 v12, v15;
	[tilespmem:v11+s26+$0x0] =	vst.idx.add.f32.msk $0xffff, v1  }
0x170: {  	[tilespmem:v13+s26+$0x0] =	vst.idx.add.f32.msk $0xffff, v1;
	v3 =	vadd.s32 v17, v16  }
0x171: {  	_ =	sdelay $0x3  }
0x172: {  	[tilespmem:v10+s26+$0x0] =	vst.idx.add.f32.msk $0xffff, v1;
	v5 =	vadd.s32 v8, v5  }
0x173: {  	[tilespmem:v9+s26+$0x0] =	vst.idx.add.f32.msk $0xffff, v1;
	v4 =	vadd.s32 v7, v4  }
0x174: {  	[tilespmem:v2+s26+$0x0] =	vst.idx.add.f32.msk $0xffff, v1  }
0x175: {  	[tilespmem:v6+s26+$0x0] =	vst.idx.add.f32.msk $0xffff, v1  }
0x176: {  	[tilespmem:v3+s26+$0x0] =	vst.idx.add.f32.msk $0xffff, v1  }
0x177: {  	[tilespmem:v5+s26+$0x0] =	vst.idx.add.f32.msk $0xffff, v1  }
0x178: {  	s0 =	simm.s32 $0x0;
	[tilespmem:v4+s26+$0x0] =	vst.idx.add.f32.msk $0xffff, v1  }
0x179: {  	[tilespmem:s23], [sflag:$0x2] =	stream.linear.gather [hbm4b:s14+s0], $0x4000, $0x38;
	[tilespmem:$0x15800] =	vst v63  }
0x17a: {  	_ = 	snop  }
0x17b: {  	[tilespmem:s24], [sflag:$0x4] =	stream.linear.gather [hbm4b:s15+s0], $0x4000, $0x38;
	[tilespmem:$0x15800] =	vst v63  }
0x17c: {  	_ =	swait.ge [sflag:s3], $0x4000  }
0x17d: {  	[sflag:s3] =	ssyncset.done $0x0  }
0x17e: {  	s1 =	simm.s32 $0x0;
	[sflag:s3] =	ssyncadd.s32 $0xFFFFC000  }
0x17f: {  	s1 =	sand.u32 $0x3000, s1;
	s4 =	sand.u32 $0xC00, s0;
	_ =	swait.ge [sflag:s25], $0x4000  }
0x180: {  	s1 =	sor.u32 s1, s4;
	s0 =	sand.u32 $0x380, s0;
	[sflag:s25] =	ssyncset.done $0x0  }
0x181: {  	s0 =	sor.u32 s0, s1;
	[sflag:s25] =	ssyncadd.s32 $0xFFFFC000  }
0x182: {  	v2 =	vld [tilespmem:s0+$0x70]  }
0x183: {  	v3 =	vld [tilespmem:s0+$0x0]  }
0x184: {  	v4 =	vld [tilespmem:s0+$0x8070]  }
0x185: {  	v5 =	vld [tilespmem:s0+$0x10]  }
0x186: {  	v6 =	vld [tilespmem:s0+$0x20]  }
0x187: {  	v7 =	vld [tilespmem:s0+$0x30]  }
0x188: {  	v8 =	vld [tilespmem:s0+$0x40]  }
0x189: {  	v9 =	vld [tilespmem:s0+$0x8000];
	v2 =	vmul.u32 $0x96, v2  }
0x18a: {  	v10 =	vld [tilespmem:s0+$0x8020]  }
0x18b: {  	v2 =	vadd.s32 v4, v2;
	v4 =	vld [tilespmem:s0+$0x8010]  }
0x18c: {  	v11 =	vld [tilespmem:s0+$0x50];
	v3 =	vmul.u32 $0x96, v3  }
0x18d: {  	v12 =	vld [tilespmem:s0+$0x8030];
	v6 =	vmul.u32 $0x96, v6  }
0x18e: {  	v13 =	vld [tilespmem:s0+$0x60];
	v5 =	vmul.u32 $0x96, v5;
	v3 =	vadd.s32 v9, v3  }
0x18f: {  	v6 =	vadd.s32 v10, v6;
	v9 =	vld [tilespmem:s0+$0x8060]  }
0x190: {  	[tilespmem:v2+s26+$0x0] =	vst.idx.add.f32.msk $0xffff, v1;
	v2 =	vadd.s32 v4, v5  }
0x191: {  	v5 =	vld [tilespmem:s0+$0x8040]  }
0x192: {  	s1 =	simm.s32 $0x80;
	v4 =	vmul.u32 $0x96, v7;
	v7 =	vld [tilespmem:s0+$0x8050];
	s0 =	simm.s32 $0x400  }
0x193: {  	s4 =	simm.s32 $0x20;
	s5 =	sand.u32 $0x3000, s1;
	[tilespmem:v3+s26+$0x0] =	vst.idx.add.f32.msk $0xffff, v1;
	s6 =	sand.u32 $0xC00, s0  }
0x194: {  	[tilespmem:v6+s26+$0x0] =	vst.idx.add.f32.msk $0xffff, v1;
	s5 =	sor.u32 s5, s6;
	s6 =	sand.u32 $0x380, s4  }
0x195: {  	s5 =	sor.u32 s6, s5;
	[tilespmem:v2+s26+$0x0] =	vst.idx.add.f32.msk $0xffff, v1  }
0x196: {  	v2 =	vld [tilespmem:s5+$0x70]  }
0x197: {  	v3 =	vld [tilespmem:s5+$0x8070]  }
0x198: {  	v4 =	vadd.s32 v12, v4;
	v6 =	vld [tilespmem:s5+$0x10]  }
0x199: {  	v10 =	vld [tilespmem:s5+$0x20]  }
0x19a: {  	v62 =	vld [tilespmem:s5+$0x30]  }
0x19b: {  	v14 =	vld [tilespmem:s5+$0x40];
	v2 =	vmul.u32 $0x96, v2  }
0x19c: {  	v15 =	vld [tilespmem:s5+$0x60]  }
0x19d: {  	v8 =	vmul.u32 $0x96, v8;
	[tilespmem:v4+s26+$0x0] =	vst.idx.add.f32.msk $0xffff, v1;
	v2 =	vadd.s32 v3, v2  }
0x19e: {  	v4 =	vld [tilespmem:s5+$0x0]  }
0x19f: {  	v16 =	vld [tilespmem:s5+$0x8000];
	v5 =	vadd.s32 v5, v8  }
0x1a0: {  	v17 =	vld [tilespmem:s5+$0x8010]  }
0x1a1: {  	v18 =	vld [tilespmem:s5+$0x8030]  }
0x1a2: {  	[tilespmem:v2+s26+$0x0] =	vst.idx.add.f32.msk $0xffff, v1  }
0x1a3: {  	v8 =	vmul.u32 $0x96, v11;
	v2 =	vmul.u32 $0x96, v4;
	v4 =	vld [tilespmem:s5+$0x8020]  }
0x1a4: {  	[tilespmem:v5+s26+$0x0] =	vst.idx.add.f32.msk $0xffff, v1  }
0x1a5: {  	v11 =	vadd.s32 v7, v8;
	v5 =	vmul.u32 $0x96, v6;
	v3 =	vld [tilespmem:s5+$0x50]  }
0x1a6: {  	v19 =	vld [tilespmem:s5+$0x8040];
	v6 =	vmul.u32 $0x96, v10;
	v16 =	vadd.s32 v16, v2;
	v2 =	vmul.u32 $0x96, v13  }
0x1a7: {  	v8 =	vld [tilespmem:s5+$0x8050];
	v10 =	vadd.s32 v17, v5  }
0x1a8: {  	v7 =	vld [tilespmem:s5+$0x8060];
	v12 =	vmul.u32 $0x96, v62;
	v2 =	vadd.s32 v9, v2;
	v9 =	vadd.s32 v4, v6  }
0x1a9: {  	v63 =	vmul.u32 $0x96, v14  }
0x1aa: {  	[tilespmem:v11+s26+$0x0] =	vst.idx.add.f32.msk $0xffff, v1;
	v5 =	vmul.u32 $0x96, v3;
	v6 =	vadd.s32 v18, v12  }
0x1ab: {  	v3 =	vadd.s32 v19, v63;
	v4 =	vmul.u32 $0x96, v15;
	[tilespmem:v16+s26+$0x0] =	vst.idx.add.f32.msk $0xffff, v1  }
.LBB2_12:
0x1ac: {  	s1 =	sadd.s32 $0x80, s1;
	[tilespmem:v10+s26+$0x0] =	vst.idx.add.f32.msk $0xffff, v1;
	v11 =	vadd.s32 v8, v5;
	s0 =	sadd.s32 $0x400, s0  }
0x1ad: {  	s4 =	sadd.s32 $0x20, s4;
	s5 =	sand.u32 $0x3000, s1;
	s6 =	sand.u32 $0xC00, s0;
	[tilespmem:v9+s26+$0x0] =	vst.idx.add.f32.msk $0xffff, v1;
	v4 =	vadd.s32 v7, v4  }
0x1ae: {  	p0 =	slt.u32 s1, $0x3F80;
	s5 =	sor.u32 s5, s6;
	s6 =	sand.u32 $0x380, s4;
	[tilespmem:v2+s26+$0x0] =	vst.idx.add.f32.msk $0xffff, v1;
	v2 =	vmov v4  }
0x1af: {  	s5 =	sor.u32 s6, s5;
	[tilespmem:v6+s26+$0x0] =	vst.idx.add.f32.msk $0xffff, v1  }
0x1b0: {  	v4 =	vld [tilespmem:s5+$0x70]  }
0x1b1: {  	v5 =	vld [tilespmem:s5+$0x0]  }
0x1b2: {  	v6 =	vld [tilespmem:s5+$0x8070]  }
0x1b3: {  	v7 =	vld [tilespmem:s5+$0x10]  }
0x1b4: {  	v8 =	vld [tilespmem:s5+$0x20]  }
0x1b5: {  	v9 =	vld [tilespmem:s5+$0x30];
	v4 =	vmul.u32 $0x96, v4  }
0x1b6: {  	v10 =	vmul.u32 $0x96, v5;
	v5 =	vld [tilespmem:s5+$0x40]  }
0x1b7: {  	v12 =	vld [tilespmem:s5+$0x50];
	v4 =	vadd.s32 v6, v4  }
0x1b8: {  	v6 =	vmul.u32 $0x96, v7;
	v7 =	vld [tilespmem:s5+$0x60]  }
0x1b9: {  	v13 =	vld [tilespmem:s5+$0x8000];
	v14 =	vmul.u32 $0x96, v8  }
0x1ba: {  	v8 =	vld [tilespmem:s5+$0x8010];
	v15 =	vmul.u32 $0x96, v9  }
0x1bb: {  	v9 =	vld [tilespmem:s5+$0x8020];
	v16 =	vmul.u32 $0x96, v5  }
0x1bc: {  	v5 =	vmul.u32 $0x96, v12;
	[tilespmem:v4+s26+$0x0] =	vst.idx.add.f32.msk $0xffff, v1  }
0x1bd: {  	v12 =	vld [tilespmem:s5+$0x8030];
	v4 =	vmul.u32 $0x96, v7  }
0x1be: {  	v13 =	vadd.s32 v13, v10;
	v17 =	vld [tilespmem:s5+$0x8040]  }
.Ltmp5:
0x1bf: {  	v10 =	vadd.s32 v8, v6;
	v8 =	vld [tilespmem:s5+$0x8050];
	(pc) =	sbr.rel @p0 .LBB2_12-.Ltmp5, $4  }
0x1c0: {  	v9 =	vadd.s32 v9, v14;
	v7 =	vld [tilespmem:s5+$0x8060]  }
0x1c1: {  	[tilespmem:v3+s26+$0x0] =	vst.idx.add.f32.msk $0xffff, v1  }
0x1c2: {  	v6 =	vadd.s32 v12, v15;
	[tilespmem:v11+s26+$0x0] =	vst.idx.add.f32.msk $0xffff, v1  }
0x1c3: {  	[tilespmem:v13+s26+$0x0] =	vst.idx.add.f32.msk $0xffff, v1;
	v3 =	vadd.s32 v17, v16  }
0x1c4: {  	_ =	sdelay $0x3  }
0x1c5: {  	[tilespmem:v10+s26+$0x0] =	vst.idx.add.f32.msk $0xffff, v1;
	v5 =	vadd.s32 v8, v5  }
0x1c6: {  	[tilespmem:v9+s26+$0x0] =	vst.idx.add.f32.msk $0xffff, v1;
	v4 =	vadd.s32 v7, v4  }
0x1c7: {  	[tilespmem:v2+s26+$0x0] =	vst.idx.add.f32.msk $0xffff, v1  }
0x1c8: {  	[tilespmem:v6+s26+$0x0] =	vst.idx.add.f32.msk $0xffff, v1  }
0x1c9: {  	[tilespmem:v3+s26+$0x0] =	vst.idx.add.f32.msk $0xffff, v1  }
0x1ca: {  	[tilespmem:v5+s26+$0x0] =	vst.idx.add.f32.msk $0xffff, v1  }
0x1cb: {  	s0 =	simm.s32 $0x0;
	[tilespmem:v4+s26+$0x0] =	vst.idx.add.f32.msk $0xffff, v1  }
0x1cc: {  	[tilespmem:s0], [sflag:$0x1] =	stream.linear.gather [hbm4b:s16+s0], $0x4000, $0x38;
	[tilespmem:$0x15800] =	vst v63  }
0x1cd: {  	_ = 	snop  }
0x1ce: {  	[tilespmem:s22], [sflag:$0x3] =	stream.linear.gather [hbm4b:s17+s0], $0x4000, $0x38;
	[tilespmem:$0x15800] =	vst v63  }
0x1cf: {  	_ =	swait.ge [sflag:s28], $0x4000  }
0x1d0: {  	[sflag:s28] =	ssyncset.done $0x0  }
0x1d1: {  	s1 =	simm.s32 $0x0;
	[sflag:s28] =	ssyncadd.s32 $0xFFFFC000  }
0x1d2: {  	s1 =	sand.u32 $0x3000, s1;
	s4 =	sand.u32 $0xC00, s0;
	_ =	swait.ge [sflag:s29], $0x4000  }
0x1d3: {  	s1 =	sor.u32 s1, s4;
	s0 =	sand.u32 $0x380, s0;
	[sflag:s29] =	ssyncset.done $0x0  }
0x1d4: {  	s0 =	sor.u32 s0, s1;
	[sflag:s29] =	ssyncadd.s32 $0xFFFFC000  }
0x1d5: {  	v2 =	vld [tilespmem:s0+$0x4070]  }
0x1d6: {  	v3 =	vld [tilespmem:s0+$0x4000]  }
0x1d7: {  	v4 =	vld [tilespmem:s0+$0xC070]  }
0x1d8: {  	v5 =	vld [tilespmem:s0+$0x4010]  }
0x1d9: {  	v6 =	vld [tilespmem:s0+$0x4020]  }
0x1da: {  	v7 =	vld [tilespmem:s0+$0x4030]  }
0x1db: {  	v8 =	vld [tilespmem:s0+$0x4040]  }
0x1dc: {  	v9 =	vld [tilespmem:s0+$0xC000];
	v2 =	vmul.u32 $0x96, v2  }
0x1dd: {  	v10 =	vld [tilespmem:s0+$0xC020]  }
0x1de: {  	v2 =	vadd.s32 v4, v2;
	v4 =	vld [tilespmem:s0+$0xC010]  }
0x1df: {  	v11 =	vld [tilespmem:s0+$0x4050];
	v3 =	vmul.u32 $0x96, v3  }
0x1e0: {  	v12 =	vld [tilespmem:s0+$0xC030];
	v6 =	vmul.u32 $0x96, v6  }
0x1e1: {  	v13 =	vld [tilespmem:s0+$0x4060];
	v5 =	vmul.u32 $0x96, v5;
	v3 =	vadd.s32 v9, v3  }
0x1e2: {  	v6 =	vadd.s32 v10, v6;
	v9 =	vld [tilespmem:s0+$0xC060]  }
0x1e3: {  	[tilespmem:v2+s26+$0x0] =	vst.idx.add.f32.msk $0xffff, v1;
	v2 =	vadd.s32 v4, v5  }
0x1e4: {  	v5 =	vld [tilespmem:s0+$0xC040]  }
0x1e5: {  	s1 =	simm.s32 $0x80;
	v4 =	vmul.u32 $0x96, v7;
	v7 =	vld [tilespmem:s0+$0xC050];
	s0 =	simm.s32 $0x400  }
0x1e6: {  	s4 =	simm.s32 $0x20;
	s5 =	sand.u32 $0x3000, s1;
	[tilespmem:v3+s26+$0x0] =	vst.idx.add.f32.msk $0xffff, v1;
	s6 =	sand.u32 $0xC00, s0  }
0x1e7: {  	[tilespmem:v6+s26+$0x0] =	vst.idx.add.f32.msk $0xffff, v1;
	s5 =	sor.u32 s5, s6;
	s6 =	sand.u32 $0x380, s4  }
0x1e8: {  	s5 =	sor.u32 s6, s5;
	[tilespmem:v2+s26+$0x0] =	vst.idx.add.f32.msk $0xffff, v1  }
0x1e9: {  	v2 =	vld [tilespmem:s5+$0x4070]  }
0x1ea: {  	v3 =	vld [tilespmem:s5+$0xC070]  }
0x1eb: {  	v4 =	vadd.s32 v12, v4;
	v6 =	vld [tilespmem:s5+$0x4010]  }
0x1ec: {  	v10 =	vld [tilespmem:s5+$0x4020]  }
0x1ed: {  	v62 =	vld [tilespmem:s5+$0x4030]  }
0x1ee: {  	v14 =	vld [tilespmem:s5+$0x4040];
	v2 =	vmul.u32 $0x96, v2  }
0x1ef: {  	v15 =	vld [tilespmem:s5+$0x4060]  }
0x1f0: {  	v8 =	vmul.u32 $0x96, v8;
	[tilespmem:v4+s26+$0x0] =	vst.idx.add.f32.msk $0xffff, v1;
	v2 =	vadd.s32 v3, v2  }
0x1f1: {  	v4 =	vld [tilespmem:s5+$0x4000]  }
0x1f2: {  	v16 =	vld [tilespmem:s5+$0xC000];
	v5 =	vadd.s32 v5, v8  }
0x1f3: {  	v17 =	vld [tilespmem:s5+$0xC010]  }
0x1f4: {  	v18 =	vld [tilespmem:s5+$0xC030]  }
0x1f5: {  	[tilespmem:v2+s26+$0x0] =	vst.idx.add.f32.msk $0xffff, v1  }
0x1f6: {  	v8 =	vmul.u32 $0x96, v11;
	v2 =	vmul.u32 $0x96, v4;
	v4 =	vld [tilespmem:s5+$0xC020]  }
0x1f7: {  	[tilespmem:v5+s26+$0x0] =	vst.idx.add.f32.msk $0xffff, v1  }
0x1f8: {  	v11 =	vadd.s32 v7, v8;
	v5 =	vmul.u32 $0x96, v6;
	v3 =	vld [tilespmem:s5+$0x4050]  }
0x1f9: {  	v19 =	vld [tilespmem:s5+$0xC040];
	v6 =	vmul.u32 $0x96, v10;
	v16 =	vadd.s32 v16, v2;
	v2 =	vmul.u32 $0x96, v13  }
0x1fa: {  	v8 =	vld [tilespmem:s5+$0xC050];
	v10 =	vadd.s32 v17, v5  }
0x1fb: {  	v7 =	vld [tilespmem:s5+$0xC060];
	v12 =	vmul.u32 $0x96, v62;
	v2 =	vadd.s32 v9, v2;
	v9 =	vadd.s32 v4, v6  }
0x1fc: {  	v63 =	vmul.u32 $0x96, v14  }
0x1fd: {  	[tilespmem:v11+s26+$0x0] =	vst.idx.add.f32.msk $0xffff, v1;
	v5 =	vmul.u32 $0x96, v3;
	v6 =	vadd.s32 v18, v12  }
0x1fe: {  	v3 =	vadd.s32 v19, v63;
	v4 =	vmul.u32 $0x96, v15;
	[tilespmem:v16+s26+$0x0] =	vst.idx.add.f32.msk $0xffff, v1  }
.LBB2_14:
0x1ff: {  	s1 =	sadd.s32 $0x80, s1;
	[tilespmem:v10+s26+$0x0] =	vst.idx.add.f32.msk $0xffff, v1;
	v11 =	vadd.s32 v8, v5;
	s0 =	sadd.s32 $0x400, s0  }
0x200: {  	s4 =	sadd.s32 $0x20, s4;
	s5 =	sand.u32 $0x3000, s1;
	s6 =	sand.u32 $0xC00, s0;
	[tilespmem:v9+s26+$0x0] =	vst.idx.add.f32.msk $0xffff, v1;
	v4 =	vadd.s32 v7, v4  }
0x201: {  	p0 =	slt.u32 s1, $0x3F80;
	s5 =	sor.u32 s5, s6;
	s6 =	sand.u32 $0x380, s4;
	[tilespmem:v2+s26+$0x0] =	vst.idx.add.f32.msk $0xffff, v1;
	v2 =	vmov v4  }
0x202: {  	s5 =	sor.u32 s6, s5;
	[tilespmem:v6+s26+$0x0] =	vst.idx.add.f32.msk $0xffff, v1  }
0x203: {  	v4 =	vld [tilespmem:s5+$0x4070]  }
0x204: {  	v5 =	vld [tilespmem:s5+$0x4000]  }
0x205: {  	v6 =	vld [tilespmem:s5+$0xC070]  }
0x206: {  	v7 =	vld [tilespmem:s5+$0x4010]  }
0x207: {  	v8 =	vld [tilespmem:s5+$0x4020]  }
0x208: {  	v9 =	vld [tilespmem:s5+$0x4030];
	v4 =	vmul.u32 $0x96, v4  }
0x209: {  	v10 =	vmul.u32 $0x96, v5;
	v5 =	vld [tilespmem:s5+$0x4040]  }
0x20a: {  	v12 =	vld [tilespmem:s5+$0x4050];
	v4 =	vadd.s32 v6, v4  }
0x20b: {  	v6 =	vmul.u32 $0x96, v7;
	v7 =	vld [tilespmem:s5+$0x4060]  }
0x20c: {  	v13 =	vld [tilespmem:s5+$0xC000];
	v14 =	vmul.u32 $0x96, v8  }
0x20d: {  	v8 =	vld [tilespmem:s5+$0xC010];
	v15 =	vmul.u32 $0x96, v9  }
0x20e: {  	v9 =	vld [tilespmem:s5+$0xC020];
	v16 =	vmul.u32 $0x96, v5  }
0x20f: {  	v5 =	vmul.u32 $0x96, v12;
	[tilespmem:v4+s26+$0x0] =	vst.idx.add.f32.msk $0xffff, v1  }
0x210: {  	v12 =	vld [tilespmem:s5+$0xC030];
	v4 =	vmul.u32 $0x96, v7  }
0x211: {  	v13 =	vadd.s32 v13, v10;
	v17 =	vld [tilespmem:s5+$0xC040]  }
.Ltmp6:
0x212: {  	v10 =	vadd.s32 v8, v6;
	v8 =	vld [tilespmem:s5+$0xC050];
	(pc) =	sbr.rel @p0 .LBB2_14-.Ltmp6, $4  }
0x213: {  	v9 =	vadd.s32 v9, v14;
	v7 =	vld [tilespmem:s5+$0xC060]  }
0x214: {  	[tilespmem:v3+s26+$0x0] =	vst.idx.add.f32.msk $0xffff, v1  }
0x215: {  	v6 =	vadd.s32 v12, v15;
	[tilespmem:v11+s26+$0x0] =	vst.idx.add.f32.msk $0xffff, v1  }
0x216: {  	[tilespmem:v13+s26+$0x0] =	vst.idx.add.f32.msk $0xffff, v1;
	v3 =	vadd.s32 v17, v16  }
0x217: {  	_ =	sdelay $0x3  }
0x218: {  	[tilespmem:v10+s26+$0x0] =	vst.idx.add.f32.msk $0xffff, v1;
	v5 =	vadd.s32 v8, v5  }
0x219: {  	[tilespmem:v9+s26+$0x0] =	vst.idx.add.f32.msk $0xffff, v1;
	v4 =	vadd.s32 v7, v4  }
0x21a: {  	[tilespmem:v2+s26+$0x0] =	vst.idx.add.f32.msk $0xffff, v1  }
0x21b: {  	[tilespmem:v6+s26+$0x0] =	vst.idx.add.f32.msk $0xffff, v1  }
0x21c: {  	[tilespmem:v3+s26+$0x0] =	vst.idx.add.f32.msk $0xffff, v1  }
0x21d: {  	[tilespmem:v5+s26+$0x0] =	vst.idx.add.f32.msk $0xffff, v1  }
0x21e: {  	s0 =	simm.s32 $0x0;
	[tilespmem:v4+s26+$0x0] =	vst.idx.add.f32.msk $0xffff, v1  }
0x21f: {  	[tilespmem:s23], [sflag:$0x2] =	stream.linear.gather [hbm4b:s18+s0], $0x4000, $0x38;
	[tilespmem:$0x15800] =	vst v63  }
0x220: {  	_ = 	snop  }
0x221: {  	[tilespmem:s24], [sflag:$0x4] =	stream.linear.gather [hbm4b:s19+s0], $0x4000, $0x38;
	[tilespmem:$0x15800] =	vst v63  }
0x222: {  	_ =	swait.ge [sflag:s3], $0x4000  }
0x223: {  	[sflag:s3] =	ssyncset.done $0x0  }
0x224: {  	s1 =	simm.s32 $0x0;
	[sflag:s3] =	ssyncadd.s32 $0xFFFFC000  }
0x225: {  	s1 =	sand.u32 $0x3000, s1;
	s4 =	sand.u32 $0xC00, s0;
	_ =	swait.ge [sflag:s25], $0x4000  }
0x226: {  	s1 =	sor.u32 s1, s4;
	s0 =	sand.u32 $0x380, s0;
	[sflag:s25] =	ssyncset.done $0x0  }
0x227: {  	s0 =	sor.u32 s0, s1;
	[sflag:s25] =	ssyncadd.s32 $0xFFFFC000  }
0x228: {  	v2 =	vld [tilespmem:s0+$0x70]  }
0x229: {  	v3 =	vld [tilespmem:s0+$0x0]  }
0x22a: {  	v4 =	vld [tilespmem:s0+$0x8070]  }
0x22b: {  	v5 =	vld [tilespmem:s0+$0x10]  }
0x22c: {  	v6 =	vld [tilespmem:s0+$0x20]  }
0x22d: {  	v7 =	vld [tilespmem:s0+$0x30]  }
0x22e: {  	v8 =	vld [tilespmem:s0+$0x40]  }
0x22f: {  	v9 =	vld [tilespmem:s0+$0x8000];
	v2 =	vmul.u32 $0x96, v2  }
0x230: {  	v10 =	vld [tilespmem:s0+$0x8020]  }
0x231: {  	v2 =	vadd.s32 v4, v2;
	v4 =	vld [tilespmem:s0+$0x8010]  }
0x232: {  	v11 =	vld [tilespmem:s0+$0x50];
	v3 =	vmul.u32 $0x96, v3  }
0x233: {  	v12 =	vld [tilespmem:s0+$0x8030];
	v6 =	vmul.u32 $0x96, v6  }
0x234: {  	v13 =	vld [tilespmem:s0+$0x60];
	v5 =	vmul.u32 $0x96, v5;
	v3 =	vadd.s32 v9, v3  }
0x235: {  	v6 =	vadd.s32 v10, v6;
	v9 =	vld [tilespmem:s0+$0x8060]  }
0x236: {  	[tilespmem:v2+s26+$0x0] =	vst.idx.add.f32.msk $0xffff, v1;
	v2 =	vadd.s32 v4, v5  }
0x237: {  	v5 =	vld [tilespmem:s0+$0x8040]  }
0x238: {  	s1 =	simm.s32 $0x80;
	v4 =	vmul.u32 $0x96, v7;
	v7 =	vld [tilespmem:s0+$0x8050];
	s0 =	simm.s32 $0x400  }
0x239: {  	s4 =	simm.s32 $0x20;
	s5 =	sand.u32 $0x3000, s1;
	[tilespmem:v3+s26+$0x0] =	vst.idx.add.f32.msk $0xffff, v1;
	s6 =	sand.u32 $0xC00, s0  }
0x23a: {  	[tilespmem:v6+s26+$0x0] =	vst.idx.add.f32.msk $0xffff, v1;
	s5 =	sor.u32 s5, s6;
	s6 =	sand.u32 $0x380, s4  }
0x23b: {  	s5 =	sor.u32 s6, s5;
	[tilespmem:v2+s26+$0x0] =	vst.idx.add.f32.msk $0xffff, v1  }
0x23c: {  	v2 =	vld [tilespmem:s5+$0x70]  }
0x23d: {  	v3 =	vld [tilespmem:s5+$0x8070]  }
0x23e: {  	v4 =	vadd.s32 v12, v4;
	v6 =	vld [tilespmem:s5+$0x10]  }
0x23f: {  	v10 =	vld [tilespmem:s5+$0x20]  }
0x240: {  	v62 =	vld [tilespmem:s5+$0x30]  }
0x241: {  	v14 =	vld [tilespmem:s5+$0x40];
	v2 =	vmul.u32 $0x96, v2  }
0x242: {  	v15 =	vld [tilespmem:s5+$0x60]  }
0x243: {  	v8 =	vmul.u32 $0x96, v8;
	[tilespmem:v4+s26+$0x0] =	vst.idx.add.f32.msk $0xffff, v1;
	v2 =	vadd.s32 v3, v2  }
0x244: {  	v4 =	vld [tilespmem:s5+$0x0]  }
0x245: {  	v16 =	vld [tilespmem:s5+$0x8000];
	v5 =	vadd.s32 v5, v8  }
0x246: {  	v17 =	vld [tilespmem:s5+$0x8010]  }
0x247: {  	v18 =	vld [tilespmem:s5+$0x8030]  }
0x248: {  	[tilespmem:v2+s26+$0x0] =	vst.idx.add.f32.msk $0xffff, v1  }
0x249: {  	v8 =	vmul.u32 $0x96, v11;
	v2 =	vmul.u32 $0x96, v4;
	v4 =	vld [tilespmem:s5+$0x8020]  }
0x24a: {  	[tilespmem:v5+s26+$0x0] =	vst.idx.add.f32.msk $0xffff, v1  }
0x24b: {  	v11 =	vadd.s32 v7, v8;
	v5 =	vmul.u32 $0x96, v6;
	v3 =	vld [tilespmem:s5+$0x50]  }
0x24c: {  	v19 =	vld [tilespmem:s5+$0x8040];
	v6 =	vmul.u32 $0x96, v10;
	v16 =	vadd.s32 v16, v2;
	v2 =	vmul.u32 $0x96, v13  }
0x24d: {  	v8 =	vld [tilespmem:s5+$0x8050];
	v10 =	vadd.s32 v17, v5  }
0x24e: {  	v7 =	vld [tilespmem:s5+$0x8060];
	v12 =	vmul.u32 $0x96, v62;
	v2 =	vadd.s32 v9, v2;
	v9 =	vadd.s32 v4, v6  }
0x24f: {  	v63 =	vmul.u32 $0x96, v14  }
0x250: {  	[tilespmem:v11+s26+$0x0] =	vst.idx.add.f32.msk $0xffff, v1;
	v5 =	vmul.u32 $0x96, v3;
	v6 =	vadd.s32 v18, v12  }
0x251: {  	v3 =	vadd.s32 v19, v63;
	v4 =	vmul.u32 $0x96, v15;
	[tilespmem:v16+s26+$0x0] =	vst.idx.add.f32.msk $0xffff, v1  }
.LBB2_16:
0x252: {  	s1 =	sadd.s32 $0x80, s1;
	[tilespmem:v10+s26+$0x0] =	vst.idx.add.f32.msk $0xffff, v1;
	v11 =	vadd.s32 v8, v5;
	s0 =	sadd.s32 $0x400, s0  }
0x253: {  	s4 =	sadd.s32 $0x20, s4;
	s5 =	sand.u32 $0x3000, s1;
	s6 =	sand.u32 $0xC00, s0;
	[tilespmem:v9+s26+$0x0] =	vst.idx.add.f32.msk $0xffff, v1;
	v4 =	vadd.s32 v7, v4  }
0x254: {  	p0 =	slt.u32 s1, $0x3F80;
	s5 =	sor.u32 s5, s6;
	s6 =	sand.u32 $0x380, s4;
	[tilespmem:v2+s26+$0x0] =	vst.idx.add.f32.msk $0xffff, v1;
	v2 =	vmov v4  }
0x255: {  	s5 =	sor.u32 s6, s5;
	[tilespmem:v6+s26+$0x0] =	vst.idx.add.f32.msk $0xffff, v1  }
0x256: {  	v4 =	vld [tilespmem:s5+$0x70]  }
0x257: {  	v5 =	vld [tilespmem:s5+$0x0]  }
0x258: {  	v6 =	vld [tilespmem:s5+$0x8070]  }
0x259: {  	v7 =	vld [tilespmem:s5+$0x10]  }
0x25a: {  	v8 =	vld [tilespmem:s5+$0x20]  }
0x25b: {  	v9 =	vld [tilespmem:s5+$0x30];
	v4 =	vmul.u32 $0x96, v4  }
0x25c: {  	v10 =	vmul.u32 $0x96, v5;
	v5 =	vld [tilespmem:s5+$0x40]  }
0x25d: {  	v12 =	vld [tilespmem:s5+$0x50];
	v4 =	vadd.s32 v6, v4  }
0x25e: {  	v6 =	vmul.u32 $0x96, v7;
	v7 =	vld [tilespmem:s5+$0x60]  }
0x25f: {  	v13 =	vld [tilespmem:s5+$0x8000];
	v14 =	vmul.u32 $0x96, v8  }
0x260: {  	v8 =	vld [tilespmem:s5+$0x8010];
	v15 =	vmul.u32 $0x96, v9  }
0x261: {  	v9 =	vld [tilespmem:s5+$0x8020];
	v16 =	vmul.u32 $0x96, v5  }
0x262: {  	v5 =	vmul.u32 $0x96, v12;
	[tilespmem:v4+s26+$0x0] =	vst.idx.add.f32.msk $0xffff, v1  }
0x263: {  	v12 =	vld [tilespmem:s5+$0x8030];
	v4 =	vmul.u32 $0x96, v7  }
0x264: {  	v13 =	vadd.s32 v13, v10;
	v17 =	vld [tilespmem:s5+$0x8040]  }
.Ltmp7:
0x265: {  	v10 =	vadd.s32 v8, v6;
	v8 =	vld [tilespmem:s5+$0x8050];
	(pc) =	sbr.rel @p0 .LBB2_16-.Ltmp7, $4  }
0x266: {  	v9 =	vadd.s32 v9, v14;
	v7 =	vld [tilespmem:s5+$0x8060]  }
0x267: {  	[tilespmem:v3+s26+$0x0] =	vst.idx.add.f32.msk $0xffff, v1  }
0x268: {  	v6 =	vadd.s32 v12, v15;
	[tilespmem:v11+s26+$0x0] =	vst.idx.add.f32.msk $0xffff, v1  }
0x269: {  	[tilespmem:v13+s26+$0x0] =	vst.idx.add.f32.msk $0xffff, v1;
	v3 =	vadd.s32 v17, v16  }
0x26a: {  	_ =	sdelay $0x3  }
0x26b: {  	[tilespmem:v10+s26+$0x0] =	vst.idx.add.f32.msk $0xffff, v1;
	v5 =	vadd.s32 v8, v5  }
0x26c: {  	[tilespmem:v9+s26+$0x0] =	vst.idx.add.f32.msk $0xffff, v1;
	v4 =	vadd.s32 v7, v4  }
0x26d: {  	[tilespmem:v2+s26+$0x0] =	vst.idx.add.f32.msk $0xffff, v1  }
0x26e: {  	[tilespmem:v6+s26+$0x0] =	vst.idx.add.f32.msk $0xffff, v1  }
0x26f: {  	[tilespmem:v3+s26+$0x0] =	vst.idx.add.f32.msk $0xffff, v1  }
0x270: {  	[tilespmem:v5+s26+$0x0] =	vst.idx.add.f32.msk $0xffff, v1  }
0x271: {  	[tilespmem:v4+s26+$0x0] =	vst.idx.add.f32.msk $0xffff, v1  }
0x272: {  	_ =	swait.ge [sflag:s28], $0x4000  }
0x273: {  	[sflag:s28] =	ssyncset.done $0x0  }
0x274: {  	s0 =	simm.s32 $0x0;
	s1 =	simm.s32 $0x0;
	[sflag:s28] =	ssyncadd.s32 $0xFFFFC000  }
0x275: {  	s1 =	sand.u32 $0x3000, s1;
	s4 =	sand.u32 $0xC00, s0;
	_ =	swait.ge [sflag:s29], $0x4000  }
0x276: {  	s0 =	sand.u32 $0x380, s0;
	s1 =	sor.u32 s1, s4;
	[sflag:s29] =	ssyncset.done $0x0  }
0x277: {  	s0 =	sor.u32 s0, s1;
	[sflag:s29] =	ssyncadd.s32 $0xFFFFC000  }
0x278: {  	v2 =	vld [tilespmem:s0+$0x4070]  }
0x279: {  	v3 =	vld [tilespmem:s0+$0x4000]  }
0x27a: {  	v4 =	vld [tilespmem:s0+$0xC070]  }
0x27b: {  	v5 =	vld [tilespmem:s0+$0x4010]  }
0x27c: {  	v6 =	vld [tilespmem:s0+$0x4020]  }
0x27d: {  	v7 =	vld [tilespmem:s0+$0x4030]  }
0x27e: {  	v8 =	vld [tilespmem:s0+$0x4040]  }
0x27f: {  	v9 =	vld [tilespmem:s0+$0xC000];
	v2 =	vmul.u32 $0x96, v2  }
0x280: {  	v10 =	vld [tilespmem:s0+$0xC020]  }
0x281: {  	v2 =	vadd.s32 v4, v2;
	v4 =	vld [tilespmem:s0+$0xC010]  }
0x282: {  	v11 =	vld [tilespmem:s0+$0x4050];
	v3 =	vmul.u32 $0x96, v3  }
0x283: {  	v12 =	vld [tilespmem:s0+$0xC030];
	v6 =	vmul.u32 $0x96, v6  }
0x284: {  	v13 =	vld [tilespmem:s0+$0x4060];
	v5 =	vmul.u32 $0x96, v5;
	v3 =	vadd.s32 v9, v3  }
0x285: {  	v6 =	vadd.s32 v10, v6;
	v9 =	vld [tilespmem:s0+$0xC060]  }
0x286: {  	[tilespmem:v2+s26+$0x0] =	vst.idx.add.f32.msk $0xffff, v1;
	v2 =	vadd.s32 v4, v5  }
0x287: {  	v5 =	vld [tilespmem:s0+$0xC040]  }
0x288: {  	s1 =	simm.s32 $0x80;
	v4 =	vmul.u32 $0x96, v7;
	v7 =	vld [tilespmem:s0+$0xC050];
	s0 =	simm.s32 $0x400  }
0x289: {  	s4 =	simm.s32 $0x20;
	s5 =	sand.u32 $0x3000, s1;
	[tilespmem:v3+s26+$0x0] =	vst.idx.add.f32.msk $0xffff, v1;
	s6 =	sand.u32 $0xC00, s0  }
0x28a: {  	[tilespmem:v6+s26+$0x0] =	vst.idx.add.f32.msk $0xffff, v1;
	s5 =	sor.u32 s5, s6;
	s6 =	sand.u32 $0x380, s4  }
0x28b: {  	s5 =	sor.u32 s6, s5;
	[tilespmem:v2+s26+$0x0] =	vst.idx.add.f32.msk $0xffff, v1  }
0x28c: {  	v2 =	vld [tilespmem:s5+$0x4070]  }
0x28d: {  	v3 =	vld [tilespmem:s5+$0xC070]  }
0x28e: {  	v4 =	vadd.s32 v12, v4;
	v6 =	vld [tilespmem:s5+$0x4010]  }
0x28f: {  	v10 =	vld [tilespmem:s5+$0x4020]  }
0x290: {  	v62 =	vld [tilespmem:s5+$0x4030]  }
0x291: {  	v14 =	vld [tilespmem:s5+$0x4040];
	v2 =	vmul.u32 $0x96, v2  }
0x292: {  	v15 =	vld [tilespmem:s5+$0x4060]  }
0x293: {  	v8 =	vmul.u32 $0x96, v8;
	[tilespmem:v4+s26+$0x0] =	vst.idx.add.f32.msk $0xffff, v1;
	v2 =	vadd.s32 v3, v2  }
0x294: {  	v4 =	vld [tilespmem:s5+$0x4000]  }
0x295: {  	v16 =	vld [tilespmem:s5+$0xC000];
	v5 =	vadd.s32 v5, v8  }
0x296: {  	v17 =	vld [tilespmem:s5+$0xC010]  }
0x297: {  	v18 =	vld [tilespmem:s5+$0xC030]  }
0x298: {  	[tilespmem:v2+s26+$0x0] =	vst.idx.add.f32.msk $0xffff, v1  }
0x299: {  	v8 =	vmul.u32 $0x96, v11;
	v2 =	vmul.u32 $0x96, v4;
	v4 =	vld [tilespmem:s5+$0xC020]  }
0x29a: {  	[tilespmem:v5+s26+$0x0] =	vst.idx.add.f32.msk $0xffff, v1  }
0x29b: {  	v11 =	vadd.s32 v7, v8;
	v5 =	vmul.u32 $0x96, v6;
	v3 =	vld [tilespmem:s5+$0x4050]  }
0x29c: {  	v19 =	vld [tilespmem:s5+$0xC040];
	v6 =	vmul.u32 $0x96, v10;
	v16 =	vadd.s32 v16, v2;
	v2 =	vmul.u32 $0x96, v13  }
0x29d: {  	v8 =	vld [tilespmem:s5+$0xC050];
	v10 =	vadd.s32 v17, v5  }
0x29e: {  	v7 =	vld [tilespmem:s5+$0xC060];
	v12 =	vmul.u32 $0x96, v62;
	v2 =	vadd.s32 v9, v2;
	v9 =	vadd.s32 v4, v6  }
0x29f: {  	v63 =	vmul.u32 $0x96, v14  }
0x2a0: {  	[tilespmem:v11+s26+$0x0] =	vst.idx.add.f32.msk $0xffff, v1;
	v5 =	vmul.u32 $0x96, v3;
	v6 =	vadd.s32 v18, v12  }
0x2a1: {  	v3 =	vadd.s32 v19, v63;
	v4 =	vmul.u32 $0x96, v15;
	[tilespmem:v16+s26+$0x0] =	vst.idx.add.f32.msk $0xffff, v1  }
.LBB2_18:
0x2a2: {  	s1 =	sadd.s32 $0x80, s1;
	[tilespmem:v10+s26+$0x0] =	vst.idx.add.f32.msk $0xffff, v1;
	v11 =	vadd.s32 v8, v5;
	s0 =	sadd.s32 $0x400, s0  }
0x2a3: {  	s4 =	sadd.s32 $0x20, s4;
	s5 =	sand.u32 $0x3000, s1;
	s6 =	sand.u32 $0xC00, s0;
	[tilespmem:v9+s26+$0x0] =	vst.idx.add.f32.msk $0xffff, v1;
	v4 =	vadd.s32 v7, v4  }
0x2a4: {  	p0 =	slt.u32 s1, $0x3F80;
	s5 =	sor.u32 s5, s6;
	s6 =	sand.u32 $0x380, s4;
	[tilespmem:v2+s26+$0x0] =	vst.idx.add.f32.msk $0xffff, v1;
	v2 =	vmov v4  }
0x2a5: {  	s5 =	sor.u32 s6, s5;
	[tilespmem:v6+s26+$0x0] =	vst.idx.add.f32.msk $0xffff, v1  }
0x2a6: {  	v4 =	vld [tilespmem:s5+$0x4070]  }
0x2a7: {  	v5 =	vld [tilespmem:s5+$0x4000]  }
0x2a8: {  	v6 =	vld [tilespmem:s5+$0xC070]  }
0x2a9: {  	v7 =	vld [tilespmem:s5+$0x4010]  }
0x2aa: {  	v8 =	vld [tilespmem:s5+$0x4020]  }
0x2ab: {  	v9 =	vld [tilespmem:s5+$0x4030];
	v4 =	vmul.u32 $0x96, v4  }
0x2ac: {  	v10 =	vmul.u32 $0x96, v5;
	v5 =	vld [tilespmem:s5+$0x4040]  }
0x2ad: {  	v12 =	vld [tilespmem:s5+$0x4050];
	v4 =	vadd.s32 v6, v4  }
0x2ae: {  	v6 =	vmul.u32 $0x96, v7;
	v7 =	vld [tilespmem:s5+$0x4060]  }
0x2af: {  	v13 =	vld [tilespmem:s5+$0xC000];
	v14 =	vmul.u32 $0x96, v8  }
0x2b0: {  	v8 =	vld [tilespmem:s5+$0xC010];
	v15 =	vmul.u32 $0x96, v9  }
0x2b1: {  	v9 =	vld [tilespmem:s5+$0xC020];
	v16 =	vmul.u32 $0x96, v5  }
0x2b2: {  	v5 =	vmul.u32 $0x96, v12;
	[tilespmem:v4+s26+$0x0] =	vst.idx.add.f32.msk $0xffff, v1  }
0x2b3: {  	v12 =	vld [tilespmem:s5+$0xC030];
	v4 =	vmul.u32 $0x96, v7  }
0x2b4: {  	v13 =	vadd.s32 v13, v10;
	v17 =	vld [tilespmem:s5+$0xC040]  }
.Ltmp8:
0x2b5: {  	v10 =	vadd.s32 v8, v6;
	v8 =	vld [tilespmem:s5+$0xC050];
	(pc) =	sbr.rel @p0 .LBB2_18-.Ltmp8, $4  }
0x2b6: {  	v9 =	vadd.s32 v9, v14;
	v7 =	vld [tilespmem:s5+$0xC060]  }
0x2b7: {  	[tilespmem:v3+s26+$0x0] =	vst.idx.add.f32.msk $0xffff, v1  }
0x2b8: {  	v6 =	vadd.s32 v12, v15;
	[tilespmem:v11+s26+$0x0] =	vst.idx.add.f32.msk $0xffff, v1  }
0x2b9: {  	[tilespmem:v13+s26+$0x0] =	vst.idx.add.f32.msk $0xffff, v1;
	v3 =	vadd.s32 v17, v16  }
0x2ba: {  	_ =	sdelay $0x3  }
0x2bb: {  	[tilespmem:v10+s26+$0x0] =	vst.idx.add.f32.msk $0xffff, v1;
	v5 =	vadd.s32 v8, v5  }
0x2bc: {  	[tilespmem:v9+s26+$0x0] =	vst.idx.add.f32.msk $0xffff, v1;
	v4 =	vadd.s32 v7, v4  }
0x2bd: {  	[tilespmem:v2+s26+$0x0] =	vst.idx.add.f32.msk $0xffff, v1  }
0x2be: {  	[tilespmem:v6+s26+$0x0] =	vst.idx.add.f32.msk $0xffff, v1  }
0x2bf: {  	[tilespmem:v3+s26+$0x0] =	vst.idx.add.f32.msk $0xffff, v1;
	s31 =	sadd.s32 $0x1, s31  }
0x2c0: {  	p0 =	sne.s32 s31, s21;
	[tilespmem:v5+s26+$0x0] =	vst.idx.add.f32.msk $0xffff, v1  }
.Ltmp9:
0x2c1: {  	[tilespmem:v4+s26+$0x0] =	vst.idx.add.f32.msk $0xffff, v1;
	(pc) =	sbr.rel @p0 .LBB2_1-.Ltmp9, $4  }
0x2c2: {  	[hbm4b:s20+s2] =	stream.linear.scatter [tilespmem:s26], [sflag:$0x5], $0x5800, $0x38;
	[tilespmem:$0x15800] =	vst v63  }
0x2c3: {  	_ =	swait.ge [sflag:s30], $0x5800  }
0x2c4: {  	[sflag:s30] =	ssyncset.done $0x0  }
0x2c5: {  	[sflag:s30] =	ssyncadd.s32 $0xFFFFA800  }
0x2c6: {  	_ =	sfence.sel $0x180000  }
0x2c7: {  	[bflag:$0x0] =	sbarrier.arrive $0xFFFF  }
0x2c8: {  	_ =	strace $0x90000047  }
0x2c9: {  	s0 =	stileid.u32;
	[bflag:$0x2] =	sbarrier.arrive $0xFFFF  }
0x2ca: {  	p0 =	sne.s32 s0, $0x0;
	s0 =	rddreg [dreg:$0x3]  }
0x2cb: {  	s0 =	sadd.s32 @!p0 $0x100000, s0  }
0x2cc: {  	[sflag:s0] =	ssyncadd.tile.s32 @!p0 $0x1;
	_ =	shalt  }
.Lfunc_end2:
_tile_overlayer_lowered:
.L_overlay_start_2:
0x2cd: {  	(tag) =	ssettag $0x2  }
0x2ce: {  	s0 =	rddreg [dreg:$0x0];
	s2 =	stileid.u32  }
0x2cf: {  	s1 =	rddreg [dreg:$0x1];
	p0 =	sne.s32 s2, $0x0  }
0x2d0: {  	s3 =	rddreg [dreg:$0x2];
	[bflag:$0x3] =	sbarrier.arrive $0xFFFF;
	s2 =	simm.s32 @!p0 $0x1C05  }
0x2d1: {  	[timem:s3], [sflag:s2] =	dma.local @!p0 [hbm:s0], s1  }
0x2d2: {  	s0 =	simm.s32 @!p0 $0x5  }
0x2d3: {  	_ =	swait.ge @!p0 [sflag:s0], s1  }
0x2d4: {  	s1 =	ssub.s32 @!p0 $0x0, s1;
	[sflag:s0] =	ssyncset.done @!p0 $0x0  }
0x2d5: {  	[sflag:s0] =	ssyncadd.s32 @!p0 s1  }
0x2d6: {  	[bflag:$0x3] =	sbarrier.arrive $0xFFFF  }
0x2d7: {  	_ =	shalt  }

</sc_bundles>
